<compile_context>
chip_gen: v7x
topology: tpu7x:2x2x1
jax: 0.10.2.dev20260603
libtpu: 0.0.44.dev20260713+nightly
codegen_flags: <defaults>
</compile_context>

<pallas_src>
import functools
import math

import jax
import jax.numpy as jnp
from jax import lax
from jax.experimental import pallas as pl
from jax.experimental.pallas import tpu as pltpu
from jax.experimental.pallas import tpu_sc as plsc

EMB = 128
SCALE = math.sqrt(EMB)

NC = 2
NS = 16
NW = NC * NS

CHUNK = 128
NBUF = 4


def _make_gather(n_tokens):
    per_w = n_tokens // NW
    n_stages = per_w // CHUNK
    mesh = plsc.VectorSubcoreMesh(core_axis_name="c", subcore_axis_name="s")

    @functools.partial(
        pl.kernel,
        mesh=mesh,
        out_type=jax.ShapeDtypeStruct((n_tokens, EMB), jnp.float32),
        scratch_types=[
            pltpu.VMEM((n_stages, CHUNK), jnp.int32),
        ] + [pltpu.VMEM((CHUNK, EMB), jnp.float32)] * NBUF
          + [pltpu.SemaphoreType.DMA] * (2 * NBUF),
    )
    def gather_kernel(tok_hbm, table_hbm, out_hbm, idx_v, *bufs):
        rows = bufs[:NBUF]
        gsem = bufs[NBUF:2 * NBUF]
        wsem = bufs[2 * NBUF:]
        wid = lax.axis_index("s") * NC + lax.axis_index("c")
        row_base = wid * per_w

        pltpu.sync_copy(tok_hbm.at[pl.ds(wid * n_stages, n_stages)], idx_v)

        def g_start(s, b):
            pltpu.async_copy(table_hbm.at[idx_v.at[s]], rows[b], gsem[b])

        def g_wait(b):
            pltpu.make_async_copy(table_hbm.at[idx_v.at[0]], rows[b],
                                  gsem[b]).wait()

        def w_start(s, b):
            pltpu.async_copy(rows[b],
                             out_hbm.at[pl.ds(row_base + s * CHUNK, CHUNK)],
                             wsem[b])

        def w_wait(b):
            pltpu.make_async_copy(rows[b], out_hbm.at[pl.ds(row_base, CHUNK)],
                                  wsem[b]).wait()

        for s0 in range(NBUF - 1):
            g_start(s0, s0)

        def scale_rows(b):
            buf = rows[b]

            def srow(r, carry):
                for rr in range(2):
                    for k in range(8):
                        sl = (r * 2 + rr, pl.ds(k * 16, 16))
                        buf[sl] = buf[sl] * SCALE
                return carry

            lax.fori_loop(0, CHUNK // 2, srow, 0)

        def phase(s, b):
            g_wait(b)
            nxt = (b + NBUF - 1) % NBUF

            @pl.when(s + NBUF - 1 < n_stages)
            def _():
                @pl.when(s >= 1)
                def _():
                    w_wait(nxt)
                g_start(s + NBUF - 1, nxt)

            scale_rows(b)
            w_start(s, b)

        def body(i, carry):
            s = i * NBUF
            for b in range(NBUF):
                phase(s + b, b)
            return carry

        lax.fori_loop(0, n_stages // NBUF, body, 0)
        for b in range(NBUF):
            w_wait(b)

    return gather_kernel


def kernel(tokens, embeddings):
    b, t = tokens.shape
    flat = tokens.reshape(b * t // CHUNK, CHUNK).astype(jnp.int32)
    out = _make_gather(b * t)(flat, embeddings)
    return out.reshape(b, t, EMB)

# --- scband reference (transcript-rebuilt; emitter-appended) ---
"""Pipeline reference for scband-token-embedding-59004260712837 (READ-ONLY COPY).

The authoritative reference and input builder live on the scoring server;
editing this copy changes nothing except your own understanding.
"""

import jax, jax.numpy as jnp
import numpy as np
import math

VOCAB_SIZE = 100000
EMB_SIZE = 128

def setup_inputs(seed: int = 0) -> dict:
    key = jax.random.key(seed)
    k_tok, k_emb = jax.random.split(key)
    tokens = jax.random.randint(k_tok, (4096, 200), 0, VOCAB_SIZE, dtype=jnp.int64 if jax.config.jax_enable_x64 else jnp.int32)
    embeddings = jax.random.normal(k_emb, (VOCAB_SIZE, EMB_SIZE), dtype=jnp.float32)
    return {"tokens": tokens, "embeddings": embeddings}

def reference(tokens, embeddings):
    # nn.Embedding lookup followed by scaling by sqrt(emb_size)
    emb = jnp.take(embeddings, tokens, axis=0)
    return emb * math.sqrt(EMB_SIZE)

if __name__ == "__main__":
    import jax
    _d = setup_inputs()
    print(jax.jit(kernel)(*tuple(_d.values())))

</pallas_src>

<mosaic_0001>
#map = affine_map<(d0, d1) -> (0, 0)>
module attributes {stable_mosaic.version = 14 : i64} {
  func.func @gather_kernel(%arg0: i32, %arg1: i32, %arg2: memref<6400x128xi32, #tpu.memory_space<hbm>>, %arg3: memref<100000x128xf32, #tpu.memory_space<hbm>>, %arg4: memref<819200x128xf32, #tpu.memory_space<hbm>>, %arg5: memref<200x128xi32, #tpu.memory_space<vmem>>, %arg6: memref<128x128xf32, #tpu.memory_space<vmem>>, %arg7: memref<128x128xf32, #tpu.memory_space<vmem>>, %arg8: memref<128x128xf32, #tpu.memory_space<vmem>>, %arg9: memref<128x128xf32, #tpu.memory_space<vmem>>, %arg10: memref<!tpu.dma_semaphore, #tpu.memory_space<semaphore_mem>>, %arg11: memref<!tpu.dma_semaphore, #tpu.memory_space<semaphore_mem>>, %arg12: memref<!tpu.dma_semaphore, #tpu.memory_space<semaphore_mem>>, %arg13: memref<!tpu.dma_semaphore, #tpu.memory_space<semaphore_mem>>, %arg14: memref<!tpu.dma_semaphore, #tpu.memory_space<semaphore_mem>>, %arg15: memref<!tpu.dma_semaphore, #tpu.memory_space<semaphore_mem>>, %arg16: memref<!tpu.dma_semaphore, #tpu.memory_space<semaphore_mem>>, %arg17: memref<!tpu.dma_semaphore, #tpu.memory_space<semaphore_mem>>) attributes {dimension_semantics = [#tpu.dimension_semantics<core_parallel>, #tpu.dimension_semantics<subcore_parallel>], iteration_bounds = array<i64: 2, 16>, scalar_prefetch = 0 : i64, scratch_operands = 13 : i64, tpu.core_type = #tpu.core_type<sc_vector_subcore>, window_params = [{transform_indices = #map}, {transform_indices = #map}, {transform_indices = #map}]} {
    %mul3A = arith.constant 2 : i32
    %mul3A_0 = arith.muli %arg1, %mul3A : i32
    %add3A = arith.addi %mul3A_0, %arg0 : i32
    %mul3A_1 = arith.constant 25600 : i32
    %mul3A_2 = arith.muli %add3A, %mul3A_1 : i32
    %mul3A_3 = arith.constant 200 : i32
    %mul3A_4 = arith.muli %add3A, %mul3A_3 : i32
    "tpu.region"() ({
      %run_scoped3A = tpu.sem_alloc : memref<!tpu.dma_semaphore, #tpu.memory_space<semaphore_mem>>
      %dma_start3A_45 = arith.constant 0 : i32
      %dma_start3A_46 = tpu.memref_slice %arg2[%mul3A_4, %dma_start3A_45] : memref<6400x128xi32, #tpu.memory_space<hbm>> -> memref<200x128xi32, #tpu.memory_space<hbm>>
      %dma_start3A_47 = arith.constant 0 : i32
      %dma_start3A_48 = tpu.memref_slice %arg2[%mul3A_4, %dma_start3A_47] : memref<6400x128xi32, #tpu.memory_space<hbm>> -> memref<200x128xi32, #tpu.memory_space<hbm>>
      tpu.enqueue_dma source(%dma_start3A_48 : memref<200x128xi32, #tpu.memory_space<hbm>>) target(%arg5 : memref<200x128xi32, #tpu.memory_space<vmem>>) target_semaphore(%run_scoped3A : memref<!tpu.dma_semaphore, #tpu.memory_space<semaphore_mem>>)
      %dma_wait3A_49 = arith.constant 0 : i32
      %dma_wait3A_50 = tpu.memref_slice %arg2[%mul3A_4, %dma_wait3A_49] : memref<6400x128xi32, #tpu.memory_space<hbm>> -> memref<200x128xi32, #tpu.memory_space<hbm>>
      %dma_wait3A_51 = arith.constant 0 : i32
      %dma_wait3A_52 = tpu.memref_slice %arg2[%mul3A_4, %dma_wait3A_51] : memref<6400x128xi32, #tpu.memory_space<hbm>> -> memref<200x128xi32, #tpu.memory_space<hbm>>
      tpu.wait_dma2 semaphore(%run_scoped3A : memref<!tpu.dma_semaphore, #tpu.memory_space<semaphore_mem>>) src(%dma_wait3A_52 : memref<200x128xi32, #tpu.memory_space<hbm>>) dst(%arg5 : memref<200x128xi32, #tpu.memory_space<vmem>>)
      tpu.yield
    }) : () -> ()
    %dma_start3A = arith.constant 0 : i32
    %dma_start3A_5 = arith.constant 0 : i32
    %dma_start3A_6 = tpu.memref_slice %arg5[%dma_start3A, %dma_start3A_5] : memref<200x128xi32, #tpu.memory_space<vmem>> -> memref<1x128xi32, #tpu.memory_space<vmem>>
    %dma_start3A_7 = tpu.memref_squeeze %dma_start3A_6 : memref<1x128xi32, #tpu.memory_space<vmem>> -> memref<128xi32, #tpu.memory_space<vmem>>
    %dma_start3A_8 = arith.constant 0 : i32
    %dma_start3A_9 = arith.constant 0 : i32
    %dma_start3A_10 = tpu.memref_slice %arg3[%dma_start3A_8, %dma_start3A_9] : memref<100000x128xf32, #tpu.memory_space<hbm>> -> memref<100000x128xf32, #tpu.memory_space<hbm>>
    tpu.enqueue_indirect_dma source(%dma_start3A_10 : memref<100000x128xf32, #tpu.memory_space<hbm>>) target(%arg6 : memref<128x128xf32, #tpu.memory_space<vmem>>) offsets(%dma_start3A_7 : memref<128xi32, #tpu.memory_space<vmem>>) semaphore(%arg10 : memref<!tpu.dma_semaphore, #tpu.memory_space<semaphore_mem>>)
    %dma_start3A_11 = arith.constant 1 : i32
    %dma_start3A_12 = arith.constant 0 : i32
    %dma_start3A_13 = tpu.memref_slice %arg5[%dma_start3A_11, %dma_start3A_12] : memref<200x128xi32, #tpu.memory_space<vmem>> -> memref<1x128xi32, #tpu.memory_space<vmem>>
    %dma_start3A_14 = tpu.memref_squeeze %dma_start3A_13 : memref<1x128xi32, #tpu.memory_space<vmem>> -> memref<128xi32, #tpu.memory_space<vmem>>
    %dma_start3A_15 = arith.constant 0 : i32
    %dma_start3A_16 = arith.constant 0 : i32
    %dma_start3A_17 = tpu.memref_slice %arg3[%dma_start3A_15, %dma_start3A_16] : memref<100000x128xf32, #tpu.memory_space<hbm>> -> memref<100000x128xf32, #tpu.memory_space<hbm>>
    tpu.enqueue_indirect_dma source(%dma_start3A_17 : memref<100000x128xf32, #tpu.memory_space<hbm>>) target(%arg7 : memref<128x128xf32, #tpu.memory_space<vmem>>) offsets(%dma_start3A_14 : memref<128xi32, #tpu.memory_space<vmem>>) semaphore(%arg11 : memref<!tpu.dma_semaphore, #tpu.memory_space<semaphore_mem>>)
    %dma_start3A_18 = arith.constant 2 : i32
    %dma_start3A_19 = arith.constant 0 : i32
    %dma_start3A_20 = tpu.memref_slice %arg5[%dma_start3A_18, %dma_start3A_19] : memref<200x128xi32, #tpu.memory_space<vmem>> -> memref<1x128xi32, #tpu.memory_space<vmem>>
    %dma_start3A_21 = tpu.memref_squeeze %dma_start3A_20 : memref<1x128xi32, #tpu.memory_space<vmem>> -> memref<128xi32, #tpu.memory_space<vmem>>
    %dma_start3A_22 = arith.constant 0 : i32
    %dma_start3A_23 = arith.constant 0 : i32
    %dma_start3A_24 = tpu.memref_slice %arg3[%dma_start3A_22, %dma_start3A_23] : memref<100000x128xf32, #tpu.memory_space<hbm>> -> memref<100000x128xf32, #tpu.memory_space<hbm>>
    tpu.enqueue_indirect_dma source(%dma_start3A_24 : memref<100000x128xf32, #tpu.memory_space<hbm>>) target(%arg8 : memref<128x128xf32, #tpu.memory_space<vmem>>) offsets(%dma_start3A_21 : memref<128xi32, #tpu.memory_space<vmem>>) semaphore(%arg12 : memref<!tpu.dma_semaphore, #tpu.memory_space<semaphore_mem>>)
    %scan3A = arith.constant 0 : i32
    %scan3A_25 = arith.constant 0 : i32
    %scan3A_26 = arith.constant 50 : i32
    %scan3A_27 = arith.addi %scan3A_25, %scan3A_26 : i32
    %scan3A_28 = arith.constant 1 : i32
    scf.for %scan3A_45 = %scan3A_25 to %scan3A_27 step %scan3A_28  : i32 {
      %mul3A_46 = arith.constant 4 : i32
      %mul3A_47 = arith.muli %scan3A_45, %mul3A_46 : i32
      %add3A_48 = arith.constant 0 : i32
      %add3A_49 = arith.addi %mul3A_47, %add3A_48 : i32
      %dma_wait3A_50 = arith.constant 0 : i32
      %dma_wait3A_51 = arith.constant 0 : i32
      %dma_wait3A_52 = tpu.memref_slice %arg5[%dma_wait3A_50, %dma_wait3A_51] : memref<200x128xi32, #tpu.memory_space<vmem>> -> memref<1x128xi32, #tpu.memory_space<vmem>>
      %dma_wait3A_53 = tpu.memref_squeeze %dma_wait3A_52 : memref<1x128xi32, #tpu.memory_space<vmem>> -> memref<128xi32, #tpu.memory_space<vmem>>
      %dma_wait3A_54 = arith.constant 0 : i32
      %dma_wait3A_55 = arith.constant 0 : i32
      %dma_wait3A_56 = tpu.memref_slice %arg3[%dma_wait3A_54, %dma_wait3A_55] : memref<100000x128xf32, #tpu.memory_space<hbm>> -> memref<100000x128xf32, #tpu.memory_space<hbm>>
      tpu.wait_indirect_dma semaphore(%arg10 : memref<!tpu.dma_semaphore, #tpu.memory_space<semaphore_mem>>) src(%dma_wait3A_56 : memref<100000x128xf32, #tpu.memory_space<hbm>>) dst(%arg6 : memref<128x128xf32, #tpu.memory_space<vmem>>)
      %add3A_57 = arith.constant 4 : i32
      %add3A_58 = arith.addi %add3A_49, %add3A_57 : i32
      %sub3A = arith.constant 1 : i32
      %sub3A_59 = arith.subi %add3A_58, %sub3A : i32
      %lt3A = arith.constant 200 : i32
      %lt3A_60 = arith.cmpi slt, %sub3A_59, %lt3A : i32
      %convert_element_type3A = arith.extui %lt3A_60 : i1 to i32
      %cond3A = arith.constant 0 : i32
      %cond3A_61 = arith.cmpi ne, %convert_element_type3A, %cond3A : i32
      scf.if %cond3A_61 {
        %ge3A = arith.constant 1 : i32
        %ge3A_168 = arith.cmpi sge, %add3A_49, %ge3A : i32
        %convert_element_type3A_169 = arith.extui %ge3A_168 : i1 to i32
        %cond3A_170 = arith.constant 0 : i32
        %cond3A_171 = arith.cmpi ne, %convert_element_type3A_169, %cond3A_170 : i32
        scf.if %cond3A_171 {
          %dma_wait3A_182 = arith.constant 0 : i32
          %dma_wait3A_183 = tpu.memref_slice %arg4[%mul3A_2, %dma_wait3A_182] : memref<819200x128xf32, #tpu.memory_space<hbm>> -> memref<128x128xf32, #tpu.memory_space<hbm>>
          %dma_wait3A_184 = arith.constant 0 : i32
          %dma_wait3A_185 = tpu.memref_slice %arg4[%mul3A_2, %dma_wait3A_184] : memref<819200x128xf32, #tpu.memory_space<hbm>> -> memref<128x128xf32, #tpu.memory_space<hbm>>
          tpu.wait_dma2 semaphore(%arg17 : memref<!tpu.dma_semaphore, #tpu.memory_space<semaphore_mem>>) src(%arg9 : memref<128x128xf32, #tpu.memory_space<vmem>>) dst(%dma_wait3A_185 : memref<128x128xf32, #tpu.memory_space<hbm>>)
        } else {
        }
        %add3A_172 = arith.constant 4 : i32
        %add3A_173 = arith.addi %add3A_49, %add3A_172 : i32
        %sub3A_174 = arith.constant 1 : i32
        %sub3A_175 = arith.subi %add3A_173, %sub3A_174 : i32
        %dma_start3A_176 = arith.constant 0 : i32
        %dma_start3A_177 = tpu.memref_slice %arg5[%sub3A_175, %dma_start3A_176] : memref<200x128xi32, #tpu.memory_space<vmem>> -> memref<1x128xi32, #tpu.memory_space<vmem>>
        %dma_start3A_178 = tpu.memref_squeeze %dma_start3A_177 : memref<1x128xi32, #tpu.memory_space<vmem>> -> memref<128xi32, #tpu.memory_space<vmem>>
        %dma_start3A_179 = arith.constant 0 : i32
        %dma_start3A_180 = arith.constant 0 : i32
        %dma_start3A_181 = tpu.memref_slice %arg3[%dma_start3A_179, %dma_start3A_180] : memref<100000x128xf32, #tpu.memory_space<hbm>> -> memref<100000x128xf32, #tpu.memory_space<hbm>>
        tpu.enqueue_indirect_dma source(%dma_start3A_181 : memref<100000x128xf32, #tpu.memory_space<hbm>>) target(%arg9 : memref<128x128xf32, #tpu.memory_space<vmem>>) offsets(%dma_start3A_178 : memref<128xi32, #tpu.memory_space<vmem>>) semaphore(%arg13 : memref<!tpu.dma_semaphore, #tpu.memory_space<semaphore_mem>>)
      } else {
      }
      %scan3A_62 = arith.constant 0 : i32
      %scan3A_63 = arith.constant 0 : i32
      %scan3A_64 = arith.constant 64 : i32
      %scan3A_65 = arith.addi %scan3A_63, %scan3A_64 : i32
      %scan3A_66 = arith.constant 1 : i32
      scf.for %scan3A_168 = %scan3A_63 to %scan3A_65 step %scan3A_66  : i32 {
        %mul3A_169 = arith.constant 2 : i32
        %mul3A_170 = arith.muli %scan3A_168, %mul3A_169 : i32
        %add3A_171 = arith.constant 0 : i32
        %add3A_172 = arith.addi %mul3A_170, %add3A_171 : i32
        %get3A = arith.index_cast %add3A_172 : i32 to index
        %get3A_173 = arith.constant 0 : index
        %get3A_174 = tpu.vector_load %arg6[%get3A, %get3A_173] {strides = array<i32>} : memref<128x128xf32, #tpu.memory_space<vmem>>, vector<1x16xf32>,
        %get3A_175 = vector.shape_cast %get3A_174 : vector<1x16xf32> to vector<16xf32>
        %mul3A_176 = arith.constant 11.3137083 : f32
        %mul3A_177 = vector.broadcast %mul3A_176 : f32 to vector<16xf32>
        %mul3A_178 = arith.mulf %get3A_175, %mul3A_177 : vector<16xf32>
        %swap3A = arith.index_cast %add3A_172 : i32 to index
        %swap3A_179 = arith.constant 0 : index
        %swap3A_180 = tpu.vector_load %arg6[%swap3A, %swap3A_179] {strides = array<i32>} : memref<128x128xf32, #tpu.memory_space<vmem>>, vector<1x16xf32>,
        %swap3A_181 = vector.shape_cast %swap3A_180 : vector<1x16xf32> to vector<16xf32>
        %swap3A_182 = vector.shape_cast %mul3A_178 : vector<16xf32> to vector<1x16xf32>
        tpu.vector_store %arg6[%swap3A, %swap3A_179], %swap3A_182 {strides = array<i32>} : memref<128x128xf32, #tpu.memory_space<vmem>>, vector<1x16xf32>,
        %mul3A_183 = arith.constant 2 : i32
        %mul3A_184 = arith.muli %scan3A_168, %mul3A_183 : i32
        %add3A_185 = arith.constant 0 : i32
        %add3A_186 = arith.addi %mul3A_184, %add3A_185 : i32
        %get3A_187 = arith.index_cast %add3A_186 : i32 to index
        %get3A_188 = arith.constant 16 : index
        %get3A_189 = tpu.vector_load %arg6[%get3A_187, %get3A_188] {strides = array<i32>} : memref<128x128xf32, #tpu.memory_space<vmem>>, vector<1x16xf32>,
        %get3A_190 = vector.shape_cast %get3A_189 : vector<1x16xf32> to vector<16xf32>
        %mul3A_191 = arith.constant 11.3137083 : f32
        %mul3A_192 = vector.broadcast %mul3A_191 : f32 to vector<16xf32>
        %mul3A_193 = arith.mulf %get3A_190, %mul3A_192 : vector<16xf32>
        %swap3A_194 = arith.index_cast %add3A_186 : i32 to index
        %swap3A_195 = arith.constant 16 : index
        %swap3A_196 = tpu.vector_load %arg6[%swap3A_194, %swap3A_195] {strides = array<i32>} : memref<128x128xf32, #tpu.memory_space<vmem>>, vector<1x16xf32>,
        %swap3A_197 = vector.shape_cast %swap3A_196 : vector<1x16xf32> to vector<16xf32>
        %swap3A_198 = vector.shape_cast %mul3A_193 : vector<16xf32> to vector<1x16xf32>
        tpu.vector_store %arg6[%swap3A_194, %swap3A_195], %swap3A_198 {strides = array<i32>} : memref<128x128xf32, #tpu.memory_space<vmem>>, vector<1x16xf32>,
        %mul3A_199 = arith.constant 2 : i32
        %mul3A_200 = arith.muli %scan3A_168, %mul3A_199 : i32
        %add3A_201 = arith.constant 0 : i32
        %add3A_202 = arith.addi %mul3A_200, %add3A_201 : i32
        %get3A_203 = arith.index_cast %add3A_202 : i32 to index
        %get3A_204 = arith.constant 32 : index
        %get3A_205 = tpu.vector_load %arg6[%get3A_203, %get3A_204] {strides = array<i32>} : memref<128x128xf32, #tpu.memory_space<vmem>>, vector<1x16xf32>,
        %get3A_206 = vector.shape_cast %get3A_205 : vector<1x16xf32> to vector<16xf32>
        %mul3A_207 = arith.constant 11.3137083 : f32
        %mul3A_208 = vector.broadcast %mul3A_207 : f32 to vector<16xf32>
        %mul3A_209 = arith.mulf %get3A_206, %mul3A_208 : vector<16xf32>
        %swap3A_210 = arith.index_cast %add3A_202 : i32 to index
        %swap3A_211 = arith.constant 32 : index
        %swap3A_212 = tpu.vector_load %arg6[%swap3A_210, %swap3A_211] {strides = array<i32>} : memref<128x128xf32, #tpu.memory_space<vmem>>, vector<1x16xf32>,
        %swap3A_213 = vector.shape_cast %swap3A_212 : vector<1x16xf32> to vector<16xf32>
        %swap3A_214 = vector.shape_cast %mul3A_209 : vector<16xf32> to vector<1x16xf32>
        tpu.vector_store %arg6[%swap3A_210, %swap3A_211], %swap3A_214 {strides = array<i32>} : memref<128x128xf32, #tpu.memory_space<vmem>>, vector<1x16xf32>,
        %mul3A_215 = arith.constant 2 : i32
        %mul3A_216 = arith.muli %scan3A_168, %mul3A_215 : i32
        %add3A_217 = arith.constant 0 : i32
        %add3A_218 = arith.addi %mul3A_216, %add3A_217 : i32
        %get3A_219 = arith.index_cast %add3A_218 : i32 to index
        %get3A_220 = arith.constant 48 : index
        %get3A_221 = tpu.vector_load %arg6[%get3A_219, %get3A_220] {strides = array<i32>} : memref<128x128xf32, #tpu.memory_space<vmem>>, vector<1x16xf32>,
        %get3A_222 = vector.shape_cast %get3A_221 : vector<1x16xf32> to vector<16xf32>
        %mul3A_223 = arith.constant 11.3137083 : f32
        %mul3A_224 = vector.broadcast %mul3A_223 : f32 to vector<16xf32>
        %mul3A_225 = arith.mulf %get3A_222, %mul3A_224 : vector<16xf32>
        %swap3A_226 = arith.index_cast %add3A_218 : i32 to index
        %swap3A_227 = arith.constant 48 : index
        %swap3A_228 = tpu.vector_load %arg6[%swap3A_226, %swap3A_227] {strides = array<i32>} : memref<128x128xf32, #tpu.memory_space<vmem>>, vector<1x16xf32>,
        %swap3A_229 = vector.shape_cast %swap3A_228 : vector<1x16xf32> to vector<16xf32>
        %swap3A_230 = vector.shape_cast %mul3A_225 : vector<16xf32> to vector<1x16xf32>
        tpu.vector_store %arg6[%swap3A_226, %swap3A_227], %swap3A_230 {strides = array<i32>} : memref<128x128xf32, #tpu.memory_space<vmem>>, vector<1x16xf32>,
        %mul3A_231 = arith.constant 2 : i32
        %mul3A_232 = arith.muli %scan3A_168, %mul3A_231 : i32
        %add3A_233 = arith.constant 0 : i32
        %add3A_234 = arith.addi %mul3A_232, %add3A_233 : i32
        %get3A_235 = arith.index_cast %add3A_234 : i32 to index
        %get3A_236 = arith.constant 64 : index
        %get3A_237 = tpu.vector_load %arg6[%get3A_235, %get3A_236] {strides = array<i32>} : memref<128x128xf32, #tpu.memory_space<vmem>>, vector<1x16xf32>,
        %get3A_238 = vector.shape_cast %get3A_237 : vector<1x16xf32> to vector<16xf32>
        %mul3A_239 = arith.constant 11.3137083 : f32
        %mul3A_240 = vector.broadcast %mul3A_239 : f32 to vector<16xf32>
        %mul3A_241 = arith.mulf %get3A_238, %mul3A_240 : vector<16xf32>
        %swap3A_242 = arith.index_cast %add3A_234 : i32 to index
        %swap3A_243 = arith.constant 64 : index
        %swap3A_244 = tpu.vector_load %arg6[%swap3A_242, %swap3A_243] {strides = array<i32>} : memref<128x128xf32, #tpu.memory_space<vmem>>, vector<1x16xf32>,
        %swap3A_245 = vector.shape_cast %swap3A_244 : vector<1x16xf32> to vector<16xf32>
        %swap3A_246 = vector.shape_cast %mul3A_241 : vector<16xf32> to vector<1x16xf32>
        tpu.vector_store %arg6[%swap3A_242, %swap3A_243], %swap3A_246 {strides = array<i32>} : memref<128x128xf32, #tpu.memory_space<vmem>>, vector<1x16xf32>,
        %mul3A_247 = arith.constant 2 : i32
        %mul3A_248 = arith.muli %scan3A_168, %mul3A_247 : i32
        %add3A_249 = arith.constant 0 : i32
        %add3A_250 = arith.addi %mul3A_248, %add3A_249 : i32
        %get3A_251 = arith.index_cast %add3A_250 : i32 to index
        %get3A_252 = arith.constant 80 : index
        %get3A_253 = tpu.vector_load %arg6[%get3A_251, %get3A_252] {strides = array<i32>} : memref<128x128xf32, #tpu.memory_space<vmem>>, vector<1x16xf32>,
        %get3A_254 = vector.shape_cast %get3A_253 : vector<1x16xf32> to vector<16xf32>
        %mul3A_255 = arith.constant 11.3137083 : f32
        %mul3A_256 = vector.broadcast %mul3A_255 : f32 to vector<16xf32>
        %mul3A_257 = arith.mulf %get3A_254, %mul3A_256 : vector<16xf32>
        %swap3A_258 = arith.index_cast %add3A_250 : i32 to index
        %swap3A_259 = arith.constant 80 : index
        %swap3A_260 = tpu.vector_load %arg6[%swap3A_258, %swap3A_259] {strides = array<i32>} : memref<128x128xf32, #tpu.memory_space<vmem>>, vector<1x16xf32>,
        %swap3A_261 = vector.shape_cast %swap3A_260 : vector<1x16xf32> to vector<16xf32>
        %swap3A_262 = vector.shape_cast %mul3A_257 : vector<16xf32> to vector<1x16xf32>
        tpu.vector_store %arg6[%swap3A_258, %swap3A_259], %swap3A_262 {strides = array<i32>} : memref<128x128xf32, #tpu.memory_space<vmem>>, vector<1x16xf32>,
        %mul3A_263 = arith.constant 2 : i32
        %mul3A_264 = arith.muli %scan3A_168, %mul3A_263 : i32
        %add3A_265 = arith.constant 0 : i32
        %add3A_266 = arith.addi %mul3A_264, %add3A_265 : i32
        %get3A_267 = arith.index_cast %add3A_266 : i32 to index
        %get3A_268 = arith.constant 96 : index
        %get3A_269 = tpu.vector_load %arg6[%get3A_267, %get3A_268] {strides = array<i32>} : memref<128x128xf32, #tpu.memory_space<vmem>>, vector<1x16xf32>,
        %get3A_270 = vector.shape_cast %get3A_269 : vector<1x16xf32> to vector<16xf32>
        %mul3A_271 = arith.constant 11.3137083 : f32
        %mul3A_272 = vector.broadcast %mul3A_271 : f32 to vector<16xf32>
        %mul3A_273 = arith.mulf %get3A_270, %mul3A_272 : vector<16xf32>
        %swap3A_274 = arith.index_cast %add3A_266 : i32 to index
        %swap3A_275 = arith.constant 96 : index
        %swap3A_276 = tpu.vector_load %arg6[%swap3A_274, %swap3A_275] {strides = array<i32>} : memref<128x128xf32, #tpu.memory_space<vmem>>, vector<1x16xf32>,
        %swap3A_277 = vector.shape_cast %swap3A_276 : vector<1x16xf32> to vector<16xf32>
        %swap3A_278 = vector.shape_cast %mul3A_273 : vector<16xf32> to vector<1x16xf32>
        tpu.vector_store %arg6[%swap3A_274, %swap3A_275], %swap3A_278 {strides = array<i32>} : memref<128x128xf32, #tpu.memory_space<vmem>>, vector<1x16xf32>,
        %mul3A_279 = arith.constant 2 : i32
        %mul3A_280 = arith.muli %scan3A_168, %mul3A_279 : i32
        %add3A_281 = arith.constant 0 : i32
        %add3A_282 = arith.addi %mul3A_280, %add3A_281 : i32
        %get3A_283 = arith.index_cast %add3A_282 : i32 to index
        %get3A_284 = arith.constant 112 : index
        %get3A_285 = tpu.vector_load %arg6[%get3A_283, %get3A_284] {strides = array<i32>} : memref<128x128xf32, #tpu.memory_space<vmem>>, vector<1x16xf32>,
        %get3A_286 = vector.shape_cast %get3A_285 : vector<1x16xf32> to vector<16xf32>
        %mul3A_287 = arith.constant 11.3137083 : f32
        %mul3A_288 = vector.broadcast %mul3A_287 : f32 to vector<16xf32>
        %mul3A_289 = arith.mulf %get3A_286, %mul3A_288 : vector<16xf32>
        %swap3A_290 = arith.index_cast %add3A_282 : i32 to index
        %swap3A_291 = arith.constant 112 : index
        %swap3A_292 = tpu.vector_load %arg6[%swap3A_290, %swap3A_291] {strides = array<i32>} : memref<128x128xf32, #tpu.memory_space<vmem>>, vector<1x16xf32>,
        %swap3A_293 = vector.shape_cast %swap3A_292 : vector<1x16xf32> to vector<16xf32>
        %swap3A_294 = vector.shape_cast %mul3A_289 : vector<16xf32> to vector<1x16xf32>
        tpu.vector_store %arg6[%swap3A_290, %swap3A_291], %swap3A_294 {strides = array<i32>} : memref<128x128xf32, #tpu.memory_space<vmem>>, vector<1x16xf32>,
        %mul3A_295 = arith.constant 2 : i32
        %mul3A_296 = arith.muli %scan3A_168, %mul3A_295 : i32
        %add3A_297 = arith.constant 1 : i32
        %add3A_298 = arith.addi %mul3A_296, %add3A_297 : i32
        %get3A_299 = arith.index_cast %add3A_298 : i32 to index
        %get3A_300 = arith.constant 0 : index
        %get3A_301 = tpu.vector_load %arg6[%get3A_299, %get3A_300] {strides = array<i32>} : memref<128x128xf32, #tpu.memory_space<vmem>>, vector<1x16xf32>,
        %get3A_302 = vector.shape_cast %get3A_301 : vector<1x16xf32> to vector<16xf32>
        %mul3A_303 = arith.constant 11.3137083 : f32
        %mul3A_304 = vector.broadcast %mul3A_303 : f32 to vector<16xf32>
        %mul3A_305 = arith.mulf %get3A_302, %mul3A_304 : vector<16xf32>
        %swap3A_306 = arith.index_cast %add3A_298 : i32 to index
        %swap3A_307 = arith.constant 0 : index
        %swap3A_308 = tpu.vector_load %arg6[%swap3A_306, %swap3A_307] {strides = array<i32>} : memref<128x128xf32, #tpu.memory_space<vmem>>, vector<1x16xf32>,
        %swap3A_309 = vector.shape_cast %swap3A_308 : vector<1x16xf32> to vector<16xf32>
        %swap3A_310 = vector.shape_cast %mul3A_305 : vector<16xf32> to vector<1x16xf32>
        tpu.vector_store %arg6[%swap3A_306, %swap3A_307], %swap3A_310 {strides = array<i32>} : memref<128x128xf32, #tpu.memory_space<vmem>>, vector<1x16xf32>,
        %mul3A_311 = arith.constant 2 : i32
        %mul3A_312 = arith.muli %scan3A_168, %mul3A_311 : i32
        %add3A_313 = arith.constant 1 : i32
        %add3A_314 = arith.addi %mul3A_312, %add3A_313 : i32
        %get3A_315 = arith.index_cast %add3A_314 : i32 to index
        %get3A_316 = arith.constant 16 : index
        %get3A_317 = tpu.vector_load %arg6[%get3A_315, %get3A_316] {strides = array<i32>} : memref<128x128xf32, #tpu.memory_space<vmem>>, vector<1x16xf32>,
        %get3A_318 = vector.shape_cast %get3A_317 : vector<1x16xf32> to vector<16xf32>
        %mul3A_319 = arith.constant 11.3137083 : f32
        %mul3A_320 = vector.broadcast %mul3A_319 : f32 to vector<16xf32>
        %mul3A_321 = arith.mulf %get3A_318, %mul3A_320 : vector<16xf32>
        %swap3A_322 = arith.index_cast %add3A_314 : i32 to index
        %swap3A_323 = arith.constant 16 : index
        %swap3A_324 = tpu.vector_load %arg6[%swap3A_322, %swap3A_323] {strides = array<i32>} : memref<128x128xf32, #tpu.memory_space<vmem>>, vector<1x16xf32>,
        %swap3A_325 = vector.shape_cast %swap3A_324 : vector<1x16xf32> to vector<16xf32>
        %swap3A_326 = vector.shape_cast %mul3A_321 : vector<16xf32> to vector<1x16xf32>
        tpu.vector_store %arg6[%swap3A_322, %swap3A_323], %swap3A_326 {strides = array<i32>} : memref<128x128xf32, #tpu.memory_space<vmem>>, vector<1x16xf32>,
        %mul3A_327 = arith.constant 2 : i32
        %mul3A_328 = arith.muli %scan3A_168, %mul3A_327 : i32
        %add3A_329 = arith.constant 1 : i32
        %add3A_330 = arith.addi %mul3A_328, %add3A_329 : i32
        %get3A_331 = arith.index_cast %add3A_330 : i32 to index
        %get3A_332 = arith.constant 32 : index
        %get3A_333 = tpu.vector_load %arg6[%get3A_331, %get3A_332] {strides = array<i32>} : memref<128x128xf32, #tpu.memory_space<vmem>>, vector<1x16xf32>,
        %get3A_334 = vector.shape_cast %get3A_333 : vector<1x16xf32> to vector<16xf32>
        %mul3A_335 = arith.constant 11.3137083 : f32
        %mul3A_336 = vector.broadcast %mul3A_335 : f32 to vector<16xf32>
        %mul3A_337 = arith.mulf %get3A_334, %mul3A_336 : vector<16xf32>
        %swap3A_338 = arith.index_cast %add3A_330 : i32 to index
        %swap3A_339 = arith.constant 32 : index
        %swap3A_340 = tpu.vector_load %arg6[%swap3A_338, %swap3A_339] {strides = array<i32>} : memref<128x128xf32, #tpu.memory_space<vmem>>, vector<1x16xf32>,
        %swap3A_341 = vector.shape_cast %swap3A_340 : vector<1x16xf32> to vector<16xf32>
        %swap3A_342 = vector.shape_cast %mul3A_337 : vector<16xf32> to vector<1x16xf32>
        tpu.vector_store %arg6[%swap3A_338, %swap3A_339], %swap3A_342 {strides = array<i32>} : memref<128x128xf32, #tpu.memory_space<vmem>>, vector<1x16xf32>,
        %mul3A_343 = arith.constant 2 : i32
        %mul3A_344 = arith.muli %scan3A_168, %mul3A_343 : i32
        %add3A_345 = arith.constant 1 : i32
        %add3A_346 = arith.addi %mul3A_344, %add3A_345 : i32
        %get3A_347 = arith.index_cast %add3A_346 : i32 to index
        %get3A_348 = arith.constant 48 : index
        %get3A_349 = tpu.vector_load %arg6[%get3A_347, %get3A_348] {strides = array<i32>} : memref<128x128xf32, #tpu.memory_space<vmem>>, vector<1x16xf32>,
        %get3A_350 = vector.shape_cast %get3A_349 : vector<1x16xf32> to vector<16xf32>
        %mul3A_351 = arith.constant 11.3137083 : f32
        %mul3A_352 = vector.broadcast %mul3A_351 : f32 to vector<16xf32>
        %mul3A_353 = arith.mulf %get3A_350, %mul3A_352 : vector<16xf32>
        %swap3A_354 = arith.index_cast %add3A_346 : i32 to index
        %swap3A_355 = arith.constant 48 : index
        %swap3A_356 = tpu.vector_load %arg6[%swap3A_354, %swap3A_355] {strides = array<i32>} : memref<128x128xf32, #tpu.memory_space<vmem>>, vector<1x16xf32>,
        %swap3A_357 = vector.shape_cast %swap3A_356 : vector<1x16xf32> to vector<16xf32>
        %swap3A_358 = vector.shape_cast %mul3A_353 : vector<16xf32> to vector<1x16xf32>
        tpu.vector_store %arg6[%swap3A_354, %swap3A_355], %swap3A_358 {strides = array<i32>} : memref<128x128xf32, #tpu.memory_space<vmem>>, vector<1x16xf32>,
        %mul3A_359 = arith.constant 2 : i32
        %mul3A_360 = arith.muli %scan3A_168, %mul3A_359 : i32
        %add3A_361 = arith.constant 1 : i32
        %add3A_362 = arith.addi %mul3A_360, %add3A_361 : i32
        %get3A_363 = arith.index_cast %add3A_362 : i32 to index
        %get3A_364 = arith.constant 64 : index
        %get3A_365 = tpu.vector_load %arg6[%get3A_363, %get3A_364] {strides = array<i32>} : memref<128x128xf32, #tpu.memory_space<vmem>>, vector<1x16xf32>,
        %get3A_366 = vector.shape_cast %get3A_365 : vector<1x16xf32> to vector<16xf32>
        %mul3A_367 = arith.constant 11.3137083 : f32
        %mul3A_368 = vector.broadcast %mul3A_367 : f32 to vector<16xf32>
        %mul3A_369 = arith.mulf %get3A_366, %mul3A_368 : vector<16xf32>
        %swap3A_370 = arith.index_cast %add3A_362 : i32 to index
        %swap3A_371 = arith.constant 64 : index
        %swap3A_372 = tpu.vector_load %arg6[%swap3A_370, %swap3A_371] {strides = array<i32>} : memref<128x128xf32, #tpu.memory_space<vmem>>, vector<1x16xf32>,
        %swap3A_373 = vector.shape_cast %swap3A_372 : vector<1x16xf32> to vector<16xf32>
        %swap3A_374 = vector.shape_cast %mul3A_369 : vector<16xf32> to vector<1x16xf32>
        tpu.vector_store %arg6[%swap3A_370, %swap3A_371], %swap3A_374 {strides = array<i32>} : memref<128x128xf32, #tpu.memory_space<vmem>>, vector<1x16xf32>,
        %mul3A_375 = arith.constant 2 : i32
        %mul3A_376 = arith.muli %scan3A_168, %mul3A_375 : i32
        %add3A_377 = arith.constant 1 : i32
        %add3A_378 = arith.addi %mul3A_376, %add3A_377 : i32
        %get3A_379 = arith.index_cast %add3A_378 : i32 to index
        %get3A_380 = arith.constant 80 : index
        %get3A_381 = tpu.vector_load %arg6[%get3A_379, %get3A_380] {strides = array<i32>} : memref<128x128xf32, #tpu.memory_space<vmem>>, vector<1x16xf32>,
        %get3A_382 = vector.shape_cast %get3A_381 : vector<1x16xf32> to vector<16xf32>
        %mul3A_383 = arith.constant 11.3137083 : f32
        %mul3A_384 = vector.broadcast %mul3A_383 : f32 to vector<16xf32>
        %mul3A_385 = arith.mulf %get3A_382, %mul3A_384 : vector<16xf32>
        %swap3A_386 = arith.index_cast %add3A_378 : i32 to index
        %swap3A_387 = arith.constant 80 : index
        %swap3A_388 = tpu.vector_load %arg6[%swap3A_386, %swap3A_387] {strides = array<i32>} : memref<128x128xf32, #tpu.memory_space<vmem>>, vector<1x16xf32>,
        %swap3A_389 = vector.shape_cast %swap3A_388 : vector<1x16xf32> to vector<16xf32>
        %swap3A_390 = vector.shape_cast %mul3A_385 : vector<16xf32> to vector<1x16xf32>
        tpu.vector_store %arg6[%swap3A_386, %swap3A_387], %swap3A_390 {strides = array<i32>} : memref<128x128xf32, #tpu.memory_space<vmem>>, vector<1x16xf32>,
        %mul3A_391 = arith.constant 2 : i32
        %mul3A_392 = arith.muli %scan3A_168, %mul3A_391 : i32
        %add3A_393 = arith.constant 1 : i32
        %add3A_394 = arith.addi %mul3A_392, %add3A_393 : i32
        %get3A_395 = arith.index_cast %add3A_394 : i32 to index
        %get3A_396 = arith.constant 96 : index
        %get3A_397 = tpu.vector_load %arg6[%get3A_395, %get3A_396] {strides = array<i32>} : memref<128x128xf32, #tpu.memory_space<vmem>>, vector<1x16xf32>,
        %get3A_398 = vector.shape_cast %get3A_397 : vector<1x16xf32> to vector<16xf32>
        %mul3A_399 = arith.constant 11.3137083 : f32
        %mul3A_400 = vector.broadcast %mul3A_399 : f32 to vector<16xf32>
        %mul3A_401 = arith.mulf %get3A_398, %mul3A_400 : vector<16xf32>
        %swap3A_402 = arith.index_cast %add3A_394 : i32 to index
        %swap3A_403 = arith.constant 96 : index
        %swap3A_404 = tpu.vector_load %arg6[%swap3A_402, %swap3A_403] {strides = array<i32>} : memref<128x128xf32, #tpu.memory_space<vmem>>, vector<1x16xf32>,
        %swap3A_405 = vector.shape_cast %swap3A_404 : vector<1x16xf32> to vector<16xf32>
        %swap3A_406 = vector.shape_cast %mul3A_401 : vector<16xf32> to vector<1x16xf32>
        tpu.vector_store %arg6[%swap3A_402, %swap3A_403], %swap3A_406 {strides = array<i32>} : memref<128x128xf32, #tpu.memory_space<vmem>>, vector<1x16xf32>,
        %mul3A_407 = arith.constant 2 : i32
        %mul3A_408 = arith.muli %scan3A_168, %mul3A_407 : i32
        %add3A_409 = arith.constant 1 : i32
        %add3A_410 = arith.addi %mul3A_408, %add3A_409 : i32
        %get3A_411 = arith.index_cast %add3A_410 : i32 to index
        %get3A_412 = arith.constant 112 : index
        %get3A_413 = tpu.vector_load %arg6[%get3A_411, %get3A_412] {strides = array<i32>} : memref<128x128xf32, #tpu.memory_space<vmem>>, vector<1x16xf32>,
        %get3A_414 = vector.shape_cast %get3A_413 : vector<1x16xf32> to vector<16xf32>
        %mul3A_415 = arith.constant 11.3137083 : f32
        %mul3A_416 = vector.broadcast %mul3A_415 : f32 to vector<16xf32>
        %mul3A_417 = arith.mulf %get3A_414, %mul3A_416 : vector<16xf32>
        %swap3A_418 = arith.index_cast %add3A_410 : i32 to index
        %swap3A_419 = arith.constant 112 : index
        %swap3A_420 = tpu.vector_load %arg6[%swap3A_418, %swap3A_419] {strides = array<i32>} : memref<128x128xf32, #tpu.memory_space<vmem>>, vector<1x16xf32>,
        %swap3A_421 = vector.shape_cast %swap3A_420 : vector<1x16xf32> to vector<16xf32>
        %swap3A_422 = vector.shape_cast %mul3A_417 : vector<16xf32> to vector<1x16xf32>
        tpu.vector_store %arg6[%swap3A_418, %swap3A_419], %swap3A_422 {strides = array<i32>} : memref<128x128xf32, #tpu.memory_space<vmem>>, vector<1x16xf32>,
      }
      %scan3A_67 = arith.constant 64 : i32
      %mul3A_68 = arith.constant 128 : i32
      %mul3A_69 = arith.muli %add3A_49, %mul3A_68 : i32
      %add3A_70 = arith.addi %mul3A_2, %mul3A_69 : i32
      %dma_start3A_71 = arith.constant 0 : i32
      %dma_start3A_72 = tpu.memref_slice %arg4[%add3A_70, %dma_start3A_71] : memref<819200x128xf32, #tpu.memory_space<hbm>> -> memref<128x128xf32, #tpu.memory_space<hbm>>
      %dma_start3A_73 = arith.constant 0 : i32
      %dma_start3A_74 = tpu.memref_slice %arg4[%add3A_70, %dma_start3A_73] : memref<819200x128xf32, #tpu.memory_space<hbm>> -> memref<128x128xf32, #tpu.memory_space<hbm>>
      tpu.enqueue_dma source(%arg6 : memref<128x128xf32, #tpu.memory_space<vmem>>) target(%dma_start3A_74 : memref<128x128xf32, #tpu.memory_space<hbm>>) target_semaphore(%arg14 : memref<!tpu.dma_semaphore, #tpu.memory_space<semaphore_mem>>)
      %add3A_75 = arith.constant 1 : i32
      %add3A_76 = arith.addi %mul3A_47, %add3A_75 : i32
      %dma_wait3A_77 = arith.constant 0 : i32
      %dma_wait3A_78 = arith.constant 0 : i32
      %dma_wait3A_79 = tpu.memref_slice %arg5[%dma_wait3A_77, %dma_wait3A_78] : memref<200x128xi32, #tpu.memory_space<vmem>> -> memref<1x128xi32, #tpu.memory_space<vmem>>
      %dma_wait3A_80 = tpu.memref_squeeze %dma_wait3A_79 : memref<1x128xi32, #tpu.memory_space<vmem>> -> memref<128xi32, #tpu.memory_space<vmem>>
      %dma_wait3A_81 = arith.constant 0 : i32
      %dma_wait3A_82 = arith.constant 0 : i32
      %dma_wait3A_83 = tpu.memref_slice %arg3[%dma_wait3A_81, %dma_wait3A_82] : memref<100000x128xf32, #tpu.memory_space<hbm>> -> memref<100000x128xf32, #tpu.memory_space<hbm>>
      tpu.wait_indirect_dma semaphore(%arg11 : memref<!tpu.dma_semaphore, #tpu.memory_space<semaphore_mem>>) src(%dma_wait3A_83 : memref<100000x128xf32, #tpu.memory_space<hbm>>) dst(%arg7 : memref<128x128xf32, #tpu.memory_space<vmem>>)
      %add3A_84 = arith.constant 4 : i32
      %add3A_85 = arith.addi %add3A_76, %add3A_84 : i32
      %sub3A_86 = arith.constant 1 : i32
      %sub3A_87 = arith.subi %add3A_85, %sub3A_86 : i32
      %lt3A_88 = arith.constant 200 : i32
      %lt3A_89 = arith.cmpi slt, %sub3A_87, %lt3A_88 : i32
      %convert_element_type3A_90 = arith.extui %lt3A_89 : i1 to i32
      %cond3A_91 = arith.constant 0 : i32
      %cond3A_92 = arith.cmpi ne, %convert_element_type3A_90, %cond3A_91 : i32
      scf.if %cond3A_92 {
        %ge3A = arith.constant 1 : i32
        %ge3A_168 = arith.cmpi sge, %add3A_76, %ge3A : i32
        %convert_element_type3A_169 = arith.extui %ge3A_168 : i1 to i32
        %cond3A_170 = arith.constant 0 : i32
        %cond3A_171 = arith.cmpi ne, %convert_element_type3A_169, %cond3A_170 : i32
        scf.if %cond3A_171 {
          %dma_wait3A_182 = arith.constant 0 : i32
          %dma_wait3A_183 = tpu.memref_slice %arg4[%mul3A_2, %dma_wait3A_182] : memref<819200x128xf32, #tpu.memory_space<hbm>> -> memref<128x128xf32, #tpu.memory_space<hbm>>
          %dma_wait3A_184 = arith.constant 0 : i32
          %dma_wait3A_185 = tpu.memref_slice %arg4[%mul3A_2, %dma_wait3A_184] : memref<819200x128xf32, #tpu.memory_space<hbm>> -> memref<128x128xf32, #tpu.memory_space<hbm>>
          tpu.wait_dma2 semaphore(%arg14 : memref<!tpu.dma_semaphore, #tpu.memory_space<semaphore_mem>>) src(%arg6 : memref<128x128xf32, #tpu.memory_space<vmem>>) dst(%dma_wait3A_185 : memref<128x128xf32, #tpu.memory_space<hbm>>)
        } else {
        }
        %add3A_172 = arith.constant 4 : i32
        %add3A_173 = arith.addi %add3A_76, %add3A_172 : i32
        %sub3A_174 = arith.constant 1 : i32
        %sub3A_175 = arith.subi %add3A_173, %sub3A_174 : i32
        %dma_start3A_176 = arith.constant 0 : i32
        %dma_start3A_177 = tpu.memref_slice %arg5[%sub3A_175, %dma_start3A_176] : memref<200x128xi32, #tpu.memory_space<vmem>> -> memref<1x128xi32, #tpu.memory_space<vmem>>
        %dma_start3A_178 = tpu.memref_squeeze %dma_start3A_177 : memref<1x128xi32, #tpu.memory_space<vmem>> -> memref<128xi32, #tpu.memory_space<vmem>>
        %dma_start3A_179 = arith.constant 0 : i32
        %dma_start3A_180 = arith.constant 0 : i32
        %dma_start3A_181 = tpu.memref_slice %arg3[%dma_start3A_179, %dma_start3A_180] : memref<100000x128xf32, #tpu.memory_space<hbm>> -> memref<100000x128xf32, #tpu.memory_space<hbm>>
        tpu.enqueue_indirect_dma source(%dma_start3A_181 : memref<100000x128xf32, #tpu.memory_space<hbm>>) target(%arg6 : memref<128x128xf32, #tpu.memory_space<vmem>>) offsets(%dma_start3A_178 : memref<128xi32, #tpu.memory_space<vmem>>) semaphore(%arg10 : memref<!tpu.dma_semaphore, #tpu.memory_space<semaphore_mem>>)
      } else {
      }
      %scan3A_93 = arith.constant 0 : i32
      %scan3A_94 = arith.constant 0 : i32
      %scan3A_95 = arith.constant 64 : i32
      %scan3A_96 = arith.addi %scan3A_94, %scan3A_95 : i32
      %scan3A_97 = arith.constant 1 : i32
      scf.for %scan3A_168 = %scan3A_94 to %scan3A_96 step %scan3A_97  : i32 {
        %mul3A_169 = arith.constant 2 : i32
        %mul3A_170 = arith.muli %scan3A_168, %mul3A_169 : i32
        %add3A_171 = arith.constant 0 : i32
        %add3A_172 = arith.addi %mul3A_170, %add3A_171 : i32
        %get3A = arith.index_cast %add3A_172 : i32 to index
        %get3A_173 = arith.constant 0 : index
        %get3A_174 = tpu.vector_load %arg7[%get3A, %get3A_173] {strides = array<i32>} : memref<128x128xf32, #tpu.memory_space<vmem>>, vector<1x16xf32>,
        %get3A_175 = vector.shape_cast %get3A_174 : vector<1x16xf32> to vector<16xf32>
        %mul3A_176 = arith.constant 11.3137083 : f32
        %mul3A_177 = vector.broadcast %mul3A_176 : f32 to vector<16xf32>
        %mul3A_178 = arith.mulf %get3A_175, %mul3A_177 : vector<16xf32>
        %swap3A = arith.index_cast %add3A_172 : i32 to index
        %swap3A_179 = arith.constant 0 : index
        %swap3A_180 = tpu.vector_load %arg7[%swap3A, %swap3A_179] {strides = array<i32>} : memref<128x128xf32, #tpu.memory_space<vmem>>, vector<1x16xf32>,
        %swap3A_181 = vector.shape_cast %swap3A_180 : vector<1x16xf32> to vector<16xf32>
        %swap3A_182 = vector.shape_cast %mul3A_178 : vector<16xf32> to vector<1x16xf32>
        tpu.vector_store %arg7[%swap3A, %swap3A_179], %swap3A_182 {strides = array<i32>} : memref<128x128xf32, #tpu.memory_space<vmem>>, vector<1x16xf32>,
        %mul3A_183 = arith.constant 2 : i32
        %mul3A_184 = arith.muli %scan3A_168, %mul3A_183 : i32
        %add3A_185 = arith.constant 0 : i32
        %add3A_186 = arith.addi %mul3A_184, %add3A_185 : i32
        %get3A_187 = arith.index_cast %add3A_186 : i32 to index
        %get3A_188 = arith.constant 16 : index
        %get3A_189 = tpu.vector_load %arg7[%get3A_187, %get3A_188] {strides = array<i32>} : memref<128x128xf32, #tpu.memory_space<vmem>>, vector<1x16xf32>,
        %get3A_190 = vector.shape_cast %get3A_189 : vector<1x16xf32> to vector<16xf32>
        %mul3A_191 = arith.constant 11.3137083 : f32
        %mul3A_192 = vector.broadcast %mul3A_191 : f32 to vector<16xf32>
        %mul3A_193 = arith.mulf %get3A_190, %mul3A_192 : vector<16xf32>
        %swap3A_194 = arith.index_cast %add3A_186 : i32 to index
        %swap3A_195 = arith.constant 16 : index
        %swap3A_196 = tpu.vector_load %arg7[%swap3A_194, %swap3A_195] {strides = array<i32>} : memref<128x128xf32, #tpu.memory_space<vmem>>, vector<1x16xf32>,
        %swap3A_197 = vector.shape_cast %swap3A_196 : vector<1x16xf32> to vector<16xf32>
        %swap3A_198 = vector.shape_cast %mul3A_193 : vector<16xf32> to vector<1x16xf32>
        tpu.vector_store %arg7[%swap3A_194, %swap3A_195], %swap3A_198 {strides = array<i32>} : memref<128x128xf32, #tpu.memory_space<vmem>>, vector<1x16xf32>,
        %mul3A_199 = arith.constant 2 : i32
        %mul3A_200 = arith.muli %scan3A_168, %mul3A_199 : i32
        %add3A_201 = arith.constant 0 : i32
        %add3A_202 = arith.addi %mul3A_200, %add3A_201 : i32
        %get3A_203 = arith.index_cast %add3A_202 : i32 to index
        %get3A_204 = arith.constant 32 : index
        %get3A_205 = tpu.vector_load %arg7[%get3A_203, %get3A_204] {strides = array<i32>} : memref<128x128xf32, #tpu.memory_space<vmem>>, vector<1x16xf32>,
        %get3A_206 = vector.shape_cast %get3A_205 : vector<1x16xf32> to vector<16xf32>
        %mul3A_207 = arith.constant 11.3137083 : f32
        %mul3A_208 = vector.broadcast %mul3A_207 : f32 to vector<16xf32>
        %mul3A_209 = arith.mulf %get3A_206, %mul3A_208 : vector<16xf32>
        %swap3A_210 = arith.index_cast %add3A_202 : i32 to index
        %swap3A_211 = arith.constant 32 : index
        %swap3A_212 = tpu.vector_load %arg7[%swap3A_210, %swap3A_211] {strides = array<i32>} : memref<128x128xf32, #tpu.memory_space<vmem>>, vector<1x16xf32>,
        %swap3A_213 = vector.shape_cast %swap3A_212 : vector<1x16xf32> to vector<16xf32>
        %swap3A_214 = vector.shape_cast %mul3A_209 : vector<16xf32> to vector<1x16xf32>
        tpu.vector_store %arg7[%swap3A_210, %swap3A_211], %swap3A_214 {strides = array<i32>} : memref<128x128xf32, #tpu.memory_space<vmem>>, vector<1x16xf32>,
        %mul3A_215 = arith.constant 2 : i32
        %mul3A_216 = arith.muli %scan3A_168, %mul3A_215 : i32
        %add3A_217 = arith.constant 0 : i32
        %add3A_218 = arith.addi %mul3A_216, %add3A_217 : i32
        %get3A_219 = arith.index_cast %add3A_218 : i32 to index
        %get3A_220 = arith.constant 48 : index
        %get3A_221 = tpu.vector_load %arg7[%get3A_219, %get3A_220] {strides = array<i32>} : memref<128x128xf32, #tpu.memory_space<vmem>>, vector<1x16xf32>,
        %get3A_222 = vector.shape_cast %get3A_221 : vector<1x16xf32> to vector<16xf32>
        %mul3A_223 = arith.constant 11.3137083 : f32
        %mul3A_224 = vector.broadcast %mul3A_223 : f32 to vector<16xf32>
        %mul3A_225 = arith.mulf %get3A_222, %mul3A_224 : vector<16xf32>
        %swap3A_226 = arith.index_cast %add3A_218 : i32 to index
        %swap3A_227 = arith.constant 48 : index
        %swap3A_228 = tpu.vector_load %arg7[%swap3A_226, %swap3A_227] {strides = array<i32>} : memref<128x128xf32, #tpu.memory_space<vmem>>, vector<1x16xf32>,
        %swap3A_229 = vector.shape_cast %swap3A_228 : vector<1x16xf32> to vector<16xf32>
        %swap3A_230 = vector.shape_cast %mul3A_225 : vector<16xf32> to vector<1x16xf32>
        tpu.vector_store %arg7[%swap3A_226, %swap3A_227], %swap3A_230 {strides = array<i32>} : memref<128x128xf32, #tpu.memory_space<vmem>>, vector<1x16xf32>,
        %mul3A_231 = arith.constant 2 : i32
        %mul3A_232 = arith.muli %scan3A_168, %mul3A_231 : i32
        %add3A_233 = arith.constant 0 : i32
        %add3A_234 = arith.addi %mul3A_232, %add3A_233 : i32
        %get3A_235 = arith.index_cast %add3A_234 : i32 to index
        %get3A_236 = arith.constant 64 : index
        %get3A_237 = tpu.vector_load %arg7[%get3A_235, %get3A_236] {strides = array<i32>} : memref<128x128xf32, #tpu.memory_space<vmem>>, vector<1x16xf32>,
        %get3A_238 = vector.shape_cast %get3A_237 : vector<1x16xf32> to vector<16xf32>
        %mul3A_239 = arith.constant 11.3137083 : f32
        %mul3A_240 = vector.broadcast %mul3A_239 : f32 to vector<16xf32>
        %mul3A_241 = arith.mulf %get3A_238, %mul3A_240 : vector<16xf32>
        %swap3A_242 = arith.index_cast %add3A_234 : i32 to index
        %swap3A_243 = arith.constant 64 : index
        %swap3A_244 = tpu.vector_load %arg7[%swap3A_242, %swap3A_243] {strides = array<i32>} : memref<128x128xf32, #tpu.memory_space<vmem>>, vector<1x16xf32>,
        %swap3A_245 = vector.shape_cast %swap3A_244 : vector<1x16xf32> to vector<16xf32>
        %swap3A_246 = vector.shape_cast %mul3A_241 : vector<16xf32> to vector<1x16xf32>
        tpu.vector_store %arg7[%swap3A_242, %swap3A_243], %swap3A_246 {strides = array<i32>} : memref<128x128xf32, #tpu.memory_space<vmem>>, vector<1x16xf32>,
        %mul3A_247 = arith.constant 2 : i32
        %mul3A_248 = arith.muli %scan3A_168, %mul3A_247 : i32
        %add3A_249 = arith.constant 0 : i32
        %add3A_250 = arith.addi %mul3A_248, %add3A_249 : i32
        %get3A_251 = arith.index_cast %add3A_250 : i32 to index
        %get3A_252 = arith.constant 80 : index
        %get3A_253 = tpu.vector_load %arg7[%get3A_251, %get3A_252] {strides = array<i32>} : memref<128x128xf32, #tpu.memory_space<vmem>>, vector<1x16xf32>,
        %get3A_254 = vector.shape_cast %get3A_253 : vector<1x16xf32> to vector<16xf32>
        %mul3A_255 = arith.constant 11.3137083 : f32
        %mul3A_256 = vector.broadcast %mul3A_255 : f32 to vector<16xf32>
        %mul3A_257 = arith.mulf %get3A_254, %mul3A_256 : vector<16xf32>
        %swap3A_258 = arith.index_cast %add3A_250 : i32 to index
        %swap3A_259 = arith.constant 80 : index
        %swap3A_260 = tpu.vector_load %arg7[%swap3A_258, %swap3A_259] {strides = array<i32>} : memref<128x128xf32, #tpu.memory_space<vmem>>, vector<1x16xf32>,
        %swap3A_261 = vector.shape_cast %swap3A_260 : vector<1x16xf32> to vector<16xf32>
        %swap3A_262 = vector.shape_cast %mul3A_257 : vector<16xf32> to vector<1x16xf32>
        tpu.vector_store %arg7[%swap3A_258, %swap3A_259], %swap3A_262 {strides = array<i32>} : memref<128x128xf32, #tpu.memory_space<vmem>>, vector<1x16xf32>,
        %mul3A_263 = arith.constant 2 : i32
        %mul3A_264 = arith.muli %scan3A_168, %mul3A_263 : i32
        %add3A_265 = arith.constant 0 : i32
        %add3A_266 = arith.addi %mul3A_264, %add3A_265 : i32
        %get3A_267 = arith.index_cast %add3A_266 : i32 to index
        %get3A_268 = arith.constant 96 : index
        %get3A_269 = tpu.vector_load %arg7[%get3A_267, %get3A_268] {strides = array<i32>} : memref<128x128xf32, #tpu.memory_space<vmem>>, vector<1x16xf32>,
        %get3A_270 = vector.shape_cast %get3A_269 : vector<1x16xf32> to vector<16xf32>
        %mul3A_271 = arith.constant 11.3137083 : f32
        %mul3A_272 = vector.broadcast %mul3A_271 : f32 to vector<16xf32>
        %mul3A_273 = arith.mulf %get3A_270, %mul3A_272 : vector<16xf32>
        %swap3A_274 = arith.index_cast %add3A_266 : i32 to index
        %swap3A_275 = arith.constant 96 : index
        %swap3A_276 = tpu.vector_load %arg7[%swap3A_274, %swap3A_275] {strides = array<i32>} : memref<128x128xf32, #tpu.memory_space<vmem>>, vector<1x16xf32>,
        %swap3A_277 = vector.shape_cast %swap3A_276 : vector<1x16xf32> to vector<16xf32>
        %swap3A_278 = vector.shape_cast %mul3A_273 : vector<16xf32> to vector<1x16xf32>
        tpu.vector_store %arg7[%swap3A_274, %swap3A_275], %swap3A_278 {strides = array<i32>} : memref<128x128xf32, #tpu.memory_space<vmem>>, vector<1x16xf32>,
        %mul3A_279 = arith.constant 2 : i32
        %mul3A_280 = arith.muli %scan3A_168, %mul3A_279 : i32
        %add3A_281 = arith.constant 0 : i32
        %add3A_282 = arith.addi %mul3A_280, %add3A_281 : i32
        %get3A_283 = arith.index_cast %add3A_282 : i32 to index
        %get3A_284 = arith.constant 112 : index
        %get3A_285 = tpu.vector_load %arg7[%get3A_283, %get3A_284] {strides = array<i32>} : memref<128x128xf32, #tpu.memory_space<vmem>>, vector<1x16xf32>,
        %get3A_286 = vector.shape_cast %get3A_285 : vector<1x16xf32> to vector<16xf32>
        %mul3A_287 = arith.constant 11.3137083 : f32
        %mul3A_288 = vector.broadcast %mul3A_287 : f32 to vector<16xf32>
        %mul3A_289 = arith.mulf %get3A_286, %mul3A_288 : vector<16xf32>
        %swap3A_290 = arith.index_cast %add3A_282 : i32 to index
        %swap3A_291 = arith.constant 112 : index
        %swap3A_292 = tpu.vector_load %arg7[%swap3A_290, %swap3A_291] {strides = array<i32>} : memref<128x128xf32, #tpu.memory_space<vmem>>, vector<1x16xf32>,
        %swap3A_293 = vector.shape_cast %swap3A_292 : vector<1x16xf32> to vector<16xf32>
        %swap3A_294 = vector.shape_cast %mul3A_289 : vector<16xf32> to vector<1x16xf32>
        tpu.vector_store %arg7[%swap3A_290, %swap3A_291], %swap3A_294 {strides = array<i32>} : memref<128x128xf32, #tpu.memory_space<vmem>>, vector<1x16xf32>,
        %mul3A_295 = arith.constant 2 : i32
        %mul3A_296 = arith.muli %scan3A_168, %mul3A_295 : i32
        %add3A_297 = arith.constant 1 : i32
        %add3A_298 = arith.addi %mul3A_296, %add3A_297 : i32
        %get3A_299 = arith.index_cast %add3A_298 : i32 to index
        %get3A_300 = arith.constant 0 : index
        %get3A_301 = tpu.vector_load %arg7[%get3A_299, %get3A_300] {strides = array<i32>} : memref<128x128xf32, #tpu.memory_space<vmem>>, vector<1x16xf32>,
        %get3A_302 = vector.shape_cast %get3A_301 : vector<1x16xf32> to vector<16xf32>
        %mul3A_303 = arith.constant 11.3137083 : f32
        %mul3A_304 = vector.broadcast %mul3A_303 : f32 to vector<16xf32>
        %mul3A_305 = arith.mulf %get3A_302, %mul3A_304 : vector<16xf32>
        %swap3A_306 = arith.index_cast %add3A_298 : i32 to index
        %swap3A_307 = arith.constant 0 : index
        %swap3A_308 = tpu.vector_load %arg7[%swap3A_306, %swap3A_307] {strides = array<i32>} : memref<128x128xf32, #tpu.memory_space<vmem>>, vector<1x16xf32>,
        %swap3A_309 = vector.shape_cast %swap3A_308 : vector<1x16xf32> to vector<16xf32>
        %swap3A_310 = vector.shape_cast %mul3A_305 : vector<16xf32> to vector<1x16xf32>
        tpu.vector_store %arg7[%swap3A_306, %swap3A_307], %swap3A_310 {strides = array<i32>} : memref<128x128xf32, #tpu.memory_space<vmem>>, vector<1x16xf32>,
        %mul3A_311 = arith.constant 2 : i32
        %mul3A_312 = arith.muli %scan3A_168, %mul3A_311 : i32
        %add3A_313 = arith.constant 1 : i32
        %add3A_314 = arith.addi %mul3A_312, %add3A_313 : i32
        %get3A_315 = arith.index_cast %add3A_314 : i32 to index
        %get3A_316 = arith.constant 16 : index
        %get3A_317 = tpu.vector_load %arg7[%get3A_315, %get3A_316] {strides = array<i32>} : memref<128x128xf32, #tpu.memory_space<vmem>>, vector<1x16xf32>,
        %get3A_318 = vector.shape_cast %get3A_317 : vector<1x16xf32> to vector<16xf32>
        %mul3A_319 = arith.constant 11.3137083 : f32
        %mul3A_320 = vector.broadcast %mul3A_319 : f32 to vector<16xf32>
        %mul3A_321 = arith.mulf %get3A_318, %mul3A_320 : vector<16xf32>
        %swap3A_322 = arith.index_cast %add3A_314 : i32 to index
        %swap3A_323 = arith.constant 16 : index
        %swap3A_324 = tpu.vector_load %arg7[%swap3A_322, %swap3A_323] {strides = array<i32>} : memref<128x128xf32, #tpu.memory_space<vmem>>, vector<1x16xf32>,
        %swap3A_325 = vector.shape_cast %swap3A_324 : vector<1x16xf32> to vector<16xf32>
        %swap3A_326 = vector.shape_cast %mul3A_321 : vector<16xf32> to vector<1x16xf32>
        tpu.vector_store %arg7[%swap3A_322, %swap3A_323], %swap3A_326 {strides = array<i32>} : memref<128x128xf32, #tpu.memory_space<vmem>>, vector<1x16xf32>,
        %mul3A_327 = arith.constant 2 : i32
        %mul3A_328 = arith.muli %scan3A_168, %mul3A_327 : i32
        %add3A_329 = arith.constant 1 : i32
        %add3A_330 = arith.addi %mul3A_328, %add3A_329 : i32
        %get3A_331 = arith.index_cast %add3A_330 : i32 to index
        %get3A_332 = arith.constant 32 : index
        %get3A_333 = tpu.vector_load %arg7[%get3A_331, %get3A_332] {strides = array<i32>} : memref<128x128xf32, #tpu.memory_space<vmem>>, vector<1x16xf32>,
        %get3A_334 = vector.shape_cast %get3A_333 : vector<1x16xf32> to vector<16xf32>
        %mul3A_335 = arith.constant 11.3137083 : f32
        %mul3A_336 = vector.broadcast %mul3A_335 : f32 to vector<16xf32>
        %mul3A_337 = arith.mulf %get3A_334, %mul3A_336 : vector<16xf32>
        %swap3A_338 = arith.index_cast %add3A_330 : i32 to index
        %swap3A_339 = arith.constant 32 : index
        %swap3A_340 = tpu.vector_load %arg7[%swap3A_338, %swap3A_339] {strides = array<i32>} : memref<128x128xf32, #tpu.memory_space<vmem>>, vector<1x16xf32>,
        %swap3A_341 = vector.shape_cast %swap3A_340 : vector<1x16xf32> to vector<16xf32>
        %swap3A_342 = vector.shape_cast %mul3A_337 : vector<16xf32> to vector<1x16xf32>
        tpu.vector_store %arg7[%swap3A_338, %swap3A_339], %swap3A_342 {strides = array<i32>} : memref<128x128xf32, #tpu.memory_space<vmem>>, vector<1x16xf32>,
        %mul3A_343 = arith.constant 2 : i32
        %mul3A_344 = arith.muli %scan3A_168, %mul3A_343 : i32
        %add3A_345 = arith.constant 1 : i32
        %add3A_346 = arith.addi %mul3A_344, %add3A_345 : i32
        %get3A_347 = arith.index_cast %add3A_346 : i32 to index
        %get3A_348 = arith.constant 48 : index
        %get3A_349 = tpu.vector_load %arg7[%get3A_347, %get3A_348] {strides = array<i32>} : memref<128x128xf32, #tpu.memory_space<vmem>>, vector<1x16xf32>,
        %get3A_350 = vector.shape_cast %get3A_349 : vector<1x16xf32> to vector<16xf32>
        %mul3A_351 = arith.constant 11.3137083 : f32
        %mul3A_352 = vector.broadcast %mul3A_351 : f32 to vector<16xf32>
        %mul3A_353 = arith.mulf %get3A_350, %mul3A_352 : vector<16xf32>
        %swap3A_354 = arith.index_cast %add3A_346 : i32 to index
        %swap3A_355 = arith.constant 48 : index
        %swap3A_356 = tpu.vector_load %arg7[%swap3A_354, %swap3A_355] {strides = array<i32>} : memref<128x128xf32, #tpu.memory_space<vmem>>, vector<1x16xf32>,
        %swap3A_357 = vector.shape_cast %swap3A_356 : vector<1x16xf32> to vector<16xf32>
        %swap3A_358 = vector.shape_cast %mul3A_353 : vector<16xf32> to vector<1x16xf32>
        tpu.vector_store %arg7[%swap3A_354, %swap3A_355], %swap3A_358 {strides = array<i32>} : memref<128x128xf32, #tpu.memory_space<vmem>>, vector<1x16xf32>,
        %mul3A_359 = arith.constant 2 : i32
        %mul3A_360 = arith.muli %scan3A_168, %mul3A_359 : i32
        %add3A_361 = arith.constant 1 : i32
        %add3A_362 = arith.addi %mul3A_360, %add3A_361 : i32
        %get3A_363 = arith.index_cast %add3A_362 : i32 to index
        %get3A_364 = arith.constant 64 : index
        %get3A_365 = tpu.vector_load %arg7[%get3A_363, %get3A_364] {strides = array<i32>} : memref<128x128xf32, #tpu.memory_space<vmem>>, vector<1x16xf32>,
        %get3A_366 = vector.shape_cast %get3A_365 : vector<1x16xf32> to vector<16xf32>
        %mul3A_367 = arith.constant 11.3137083 : f32
        %mul3A_368 = vector.broadcast %mul3A_367 : f32 to vector<16xf32>
        %mul3A_369 = arith.mulf %get3A_366, %mul3A_368 : vector<16xf32>
        %swap3A_370 = arith.index_cast %add3A_362 : i32 to index
        %swap3A_371 = arith.constant 64 : index
        %swap3A_372 = tpu.vector_load %arg7[%swap3A_370, %swap3A_371] {strides = array<i32>} : memref<128x128xf32, #tpu.memory_space<vmem>>, vector<1x16xf32>,
        %swap3A_373 = vector.shape_cast %swap3A_372 : vector<1x16xf32> to vector<16xf32>
        %swap3A_374 = vector.shape_cast %mul3A_369 : vector<16xf32> to vector<1x16xf32>
        tpu.vector_store %arg7[%swap3A_370, %swap3A_371], %swap3A_374 {strides = array<i32>} : memref<128x128xf32, #tpu.memory_space<vmem>>, vector<1x16xf32>,
        %mul3A_375 = arith.constant 2 : i32
        %mul3A_376 = arith.muli %scan3A_168, %mul3A_375 : i32
        %add3A_377 = arith.constant 1 : i32
        %add3A_378 = arith.addi %mul3A_376, %add3A_377 : i32
        %get3A_379 = arith.index_cast %add3A_378 : i32 to index
        %get3A_380 = arith.constant 80 : index
        %get3A_381 = tpu.vector_load %arg7[%get3A_379, %get3A_380] {strides = array<i32>} : memref<128x128xf32, #tpu.memory_space<vmem>>, vector<1x16xf32>,
        %get3A_382 = vector.shape_cast %get3A_381 : vector<1x16xf32> to vector<16xf32>
        %mul3A_383 = arith.constant 11.3137083 : f32
        %mul3A_384 = vector.broadcast %mul3A_383 : f32 to vector<16xf32>
        %mul3A_385 = arith.mulf %get3A_382, %mul3A_384 : vector<16xf32>
        %swap3A_386 = arith.index_cast %add3A_378 : i32 to index
        %swap3A_387 = arith.constant 80 : index
        %swap3A_388 = tpu.vector_load %arg7[%swap3A_386, %swap3A_387] {strides = array<i32>} : memref<128x128xf32, #tpu.memory_space<vmem>>, vector<1x16xf32>,
        %swap3A_389 = vector.shape_cast %swap3A_388 : vector<1x16xf32> to vector<16xf32>
        %swap3A_390 = vector.shape_cast %mul3A_385 : vector<16xf32> to vector<1x16xf32>
        tpu.vector_store %arg7[%swap3A_386, %swap3A_387], %swap3A_390 {strides = array<i32>} : memref<128x128xf32, #tpu.memory_space<vmem>>, vector<1x16xf32>,
        %mul3A_391 = arith.constant 2 : i32
        %mul3A_392 = arith.muli %scan3A_168, %mul3A_391 : i32
        %add3A_393 = arith.constant 1 : i32
        %add3A_394 = arith.addi %mul3A_392, %add3A_393 : i32
        %get3A_395 = arith.index_cast %add3A_394 : i32 to index
        %get3A_396 = arith.constant 96 : index
        %get3A_397 = tpu.vector_load %arg7[%get3A_395, %get3A_396] {strides = array<i32>} : memref<128x128xf32, #tpu.memory_space<vmem>>, vector<1x16xf32>,
        %get3A_398 = vector.shape_cast %get3A_397 : vector<1x16xf32> to vector<16xf32>
        %mul3A_399 = arith.constant 11.3137083 : f32
        %mul3A_400 = vector.broadcast %mul3A_399 : f32 to vector<16xf32>
        %mul3A_401 = arith.mulf %get3A_398, %mul3A_400 : vector<16xf32>
        %swap3A_402 = arith.index_cast %add3A_394 : i32 to index
        %swap3A_403 = arith.constant 96 : index
        %swap3A_404 = tpu.vector_load %arg7[%swap3A_402, %swap3A_403] {strides = array<i32>} : memref<128x128xf32, #tpu.memory_space<vmem>>, vector<1x16xf32>,
        %swap3A_405 = vector.shape_cast %swap3A_404 : vector<1x16xf32> to vector<16xf32>
        %swap3A_406 = vector.shape_cast %mul3A_401 : vector<16xf32> to vector<1x16xf32>
        tpu.vector_store %arg7[%swap3A_402, %swap3A_403], %swap3A_406 {strides = array<i32>} : memref<128x128xf32, #tpu.memory_space<vmem>>, vector<1x16xf32>,
        %mul3A_407 = arith.constant 2 : i32
        %mul3A_408 = arith.muli %scan3A_168, %mul3A_407 : i32
        %add3A_409 = arith.constant 1 : i32
        %add3A_410 = arith.addi %mul3A_408, %add3A_409 : i32
        %get3A_411 = arith.index_cast %add3A_410 : i32 to index
        %get3A_412 = arith.constant 112 : index
        %get3A_413 = tpu.vector_load %arg7[%get3A_411, %get3A_412] {strides = array<i32>} : memref<128x128xf32, #tpu.memory_space<vmem>>, vector<1x16xf32>,
        %get3A_414 = vector.shape_cast %get3A_413 : vector<1x16xf32> to vector<16xf32>
        %mul3A_415 = arith.constant 11.3137083 : f32
        %mul3A_416 = vector.broadcast %mul3A_415 : f32 to vector<16xf32>
        %mul3A_417 = arith.mulf %get3A_414, %mul3A_416 : vector<16xf32>
        %swap3A_418 = arith.index_cast %add3A_410 : i32 to index
        %swap3A_419 = arith.constant 112 : index
        %swap3A_420 = tpu.vector_load %arg7[%swap3A_418, %swap3A_419] {strides = array<i32>} : memref<128x128xf32, #tpu.memory_space<vmem>>, vector<1x16xf32>,
        %swap3A_421 = vector.shape_cast %swap3A_420 : vector<1x16xf32> to vector<16xf32>
        %swap3A_422 = vector.shape_cast %mul3A_417 : vector<16xf32> to vector<1x16xf32>
        tpu.vector_store %arg7[%swap3A_418, %swap3A_419], %swap3A_422 {strides = array<i32>} : memref<128x128xf32, #tpu.memory_space<vmem>>, vector<1x16xf32>,
      }
      %scan3A_98 = arith.constant 64 : i32
      %mul3A_99 = arith.constant 128 : i32
      %mul3A_100 = arith.muli %add3A_76, %mul3A_99 : i32
      %add3A_101 = arith.addi %mul3A_2, %mul3A_100 : i32
      %dma_start3A_102 = arith.constant 0 : i32
      %dma_start3A_103 = tpu.memref_slice %arg4[%add3A_101, %dma_start3A_102] : memref<819200x128xf32, #tpu.memory_space<hbm>> -> memref<128x128xf32, #tpu.memory_space<hbm>>
      %dma_start3A_104 = arith.constant 0 : i32
      %dma_start3A_105 = tpu.memref_slice %arg4[%add3A_101, %dma_start3A_104] : memref<819200x128xf32, #tpu.memory_space<hbm>> -> memref<128x128xf32, #tpu.memory_space<hbm>>
      tpu.enqueue_dma source(%arg7 : memref<128x128xf32, #tpu.memory_space<vmem>>) target(%dma_start3A_105 : memref<128x128xf32, #tpu.memory_space<hbm>>) target_semaphore(%arg15 : memref<!tpu.dma_semaphore, #tpu.memory_space<semaphore_mem>>)
      %add3A_106 = arith.constant 2 : i32
      %add3A_107 = arith.addi %mul3A_47, %add3A_106 : i32
      %dma_wait3A_108 = arith.constant 0 : i32
      %dma_wait3A_109 = arith.constant 0 : i32
      %dma_wait3A_110 = tpu.memref_slice %arg5[%dma_wait3A_108, %dma_wait3A_109] : memref<200x128xi32, #tpu.memory_space<vmem>> -> memref<1x128xi32, #tpu.memory_space<vmem>>
      %dma_wait3A_111 = tpu.memref_squeeze %dma_wait3A_110 : memref<1x128xi32, #tpu.memory_space<vmem>> -> memref<128xi32, #tpu.memory_space<vmem>>
      %dma_wait3A_112 = arith.constant 0 : i32
      %dma_wait3A_113 = arith.constant 0 : i32
      %dma_wait3A_114 = tpu.memref_slice %arg3[%dma_wait3A_112, %dma_wait3A_113] : memref<100000x128xf32, #tpu.memory_space<hbm>> -> memref<100000x128xf32, #tpu.memory_space<hbm>>
      tpu.wait_indirect_dma semaphore(%arg12 : memref<!tpu.dma_semaphore, #tpu.memory_space<semaphore_mem>>) src(%dma_wait3A_114 : memref<100000x128xf32, #tpu.memory_space<hbm>>) dst(%arg8 : memref<128x128xf32, #tpu.memory_space<vmem>>)
      %add3A_115 = arith.constant 4 : i32
      %add3A_116 = arith.addi %add3A_107, %add3A_115 : i32
      %sub3A_117 = arith.constant 1 : i32
      %sub3A_118 = arith.subi %add3A_116, %sub3A_117 : i32
      %lt3A_119 = arith.constant 200 : i32
      %lt3A_120 = arith.cmpi slt, %sub3A_118, %lt3A_119 : i32
      %convert_element_type3A_121 = arith.extui %lt3A_120 : i1 to i32
      %cond3A_122 = arith.constant 0 : i32
      %cond3A_123 = arith.cmpi ne, %convert_element_type3A_121, %cond3A_122 : i32
      scf.if %cond3A_123 {
        %ge3A = arith.constant 1 : i32
        %ge3A_168 = arith.cmpi sge, %add3A_107, %ge3A : i32
        %convert_element_type3A_169 = arith.extui %ge3A_168 : i1 to i32
        %cond3A_170 = arith.constant 0 : i32
        %cond3A_171 = arith.cmpi ne, %convert_element_type3A_169, %cond3A_170 : i32
        scf.if %cond3A_171 {
          %dma_wait3A_182 = arith.constant 0 : i32
          %dma_wait3A_183 = tpu.memref_slice %arg4[%mul3A_2, %dma_wait3A_182] : memref<819200x128xf32, #tpu.memory_space<hbm>> -> memref<128x128xf32, #tpu.memory_space<hbm>>
          %dma_wait3A_184 = arith.constant 0 : i32
          %dma_wait3A_185 = tpu.memref_slice %arg4[%mul3A_2, %dma_wait3A_184] : memref<819200x128xf32, #tpu.memory_space<hbm>> -> memref<128x128xf32, #tpu.memory_space<hbm>>
          tpu.wait_dma2 semaphore(%arg15 : memref<!tpu.dma_semaphore, #tpu.memory_space<semaphore_mem>>) src(%arg7 : memref<128x128xf32, #tpu.memory_space<vmem>>) dst(%dma_wait3A_185 : memref<128x128xf32, #tpu.memory_space<hbm>>)
        } else {
        }
        %add3A_172 = arith.constant 4 : i32
        %add3A_173 = arith.addi %add3A_107, %add3A_172 : i32
        %sub3A_174 = arith.constant 1 : i32
        %sub3A_175 = arith.subi %add3A_173, %sub3A_174 : i32
        %dma_start3A_176 = arith.constant 0 : i32
        %dma_start3A_177 = tpu.memref_slice %arg5[%sub3A_175, %dma_start3A_176] : memref<200x128xi32, #tpu.memory_space<vmem>> -> memref<1x128xi32, #tpu.memory_space<vmem>>
        %dma_start3A_178 = tpu.memref_squeeze %dma_start3A_177 : memref<1x128xi32, #tpu.memory_space<vmem>> -> memref<128xi32, #tpu.memory_space<vmem>>
        %dma_start3A_179 = arith.constant 0 : i32
        %dma_start3A_180 = arith.constant 0 : i32
        %dma_start3A_181 = tpu.memref_slice %arg3[%dma_start3A_179, %dma_start3A_180] : memref<100000x128xf32, #tpu.memory_space<hbm>> -> memref<100000x128xf32, #tpu.memory_space<hbm>>
        tpu.enqueue_indirect_dma source(%dma_start3A_181 : memref<100000x128xf32, #tpu.memory_space<hbm>>) target(%arg7 : memref<128x128xf32, #tpu.memory_space<vmem>>) offsets(%dma_start3A_178 : memref<128xi32, #tpu.memory_space<vmem>>) semaphore(%arg11 : memref<!tpu.dma_semaphore, #tpu.memory_space<semaphore_mem>>)
      } else {
      }
      %scan3A_124 = arith.constant 0 : i32
      %scan3A_125 = arith.constant 0 : i32
      %scan3A_126 = arith.constant 64 : i32
      %scan3A_127 = arith.addi %scan3A_125, %scan3A_126 : i32
      %scan3A_128 = arith.constant 1 : i32
      scf.for %scan3A_168 = %scan3A_125 to %scan3A_127 step %scan3A_128  : i32 {
        %mul3A_169 = arith.constant 2 : i32
        %mul3A_170 = arith.muli %scan3A_168, %mul3A_169 : i32
        %add3A_171 = arith.constant 0 : i32
        %add3A_172 = arith.addi %mul3A_170, %add3A_171 : i32
        %get3A = arith.index_cast %add3A_172 : i32 to index
        %get3A_173 = arith.constant 0 : index
        %get3A_174 = tpu.vector_load %arg8[%get3A, %get3A_173] {strides = array<i32>} : memref<128x128xf32, #tpu.memory_space<vmem>>, vector<1x16xf32>,
        %get3A_175 = vector.shape_cast %get3A_174 : vector<1x16xf32> to vector<16xf32>
        %mul3A_176 = arith.constant 11.3137083 : f32
        %mul3A_177 = vector.broadcast %mul3A_176 : f32 to vector<16xf32>
        %mul3A_178 = arith.mulf %get3A_175, %mul3A_177 : vector<16xf32>
        %swap3A = arith.index_cast %add3A_172 : i32 to index
        %swap3A_179 = arith.constant 0 : index
        %swap3A_180 = tpu.vector_load %arg8[%swap3A, %swap3A_179] {strides = array<i32>} : memref<128x128xf32, #tpu.memory_space<vmem>>, vector<1x16xf32>,
        %swap3A_181 = vector.shape_cast %swap3A_180 : vector<1x16xf32> to vector<16xf32>
        %swap3A_182 = vector.shape_cast %mul3A_178 : vector<16xf32> to vector<1x16xf32>
        tpu.vector_store %arg8[%swap3A, %swap3A_179], %swap3A_182 {strides = array<i32>} : memref<128x128xf32, #tpu.memory_space<vmem>>, vector<1x16xf32>,
        %mul3A_183 = arith.constant 2 : i32
        %mul3A_184 = arith.muli %scan3A_168, %mul3A_183 : i32
        %add3A_185 = arith.constant 0 : i32
        %add3A_186 = arith.addi %mul3A_184, %add3A_185 : i32
        %get3A_187 = arith.index_cast %add3A_186 : i32 to index
        %get3A_188 = arith.constant 16 : index
        %get3A_189 = tpu.vector_load %arg8[%get3A_187, %get3A_188] {strides = array<i32>} : memref<128x128xf32, #tpu.memory_space<vmem>>, vector<1x16xf32>,
        %get3A_190 = vector.shape_cast %get3A_189 : vector<1x16xf32> to vector<16xf32>
        %mul3A_191 = arith.constant 11.3137083 : f32
        %mul3A_192 = vector.broadcast %mul3A_191 : f32 to vector<16xf32>
        %mul3A_193 = arith.mulf %get3A_190, %mul3A_192 : vector<16xf32>
        %swap3A_194 = arith.index_cast %add3A_186 : i32 to index
        %swap3A_195 = arith.constant 16 : index
        %swap3A_196 = tpu.vector_load %arg8[%swap3A_194, %swap3A_195] {strides = array<i32>} : memref<128x128xf32, #tpu.memory_space<vmem>>, vector<1x16xf32>,
        %swap3A_197 = vector.shape_cast %swap3A_196 : vector<1x16xf32> to vector<16xf32>
        %swap3A_198 = vector.shape_cast %mul3A_193 : vector<16xf32> to vector<1x16xf32>
        tpu.vector_store %arg8[%swap3A_194, %swap3A_195], %swap3A_198 {strides = array<i32>} : memref<128x128xf32, #tpu.memory_space<vmem>>, vector<1x16xf32>,
        %mul3A_199 = arith.constant 2 : i32
        %mul3A_200 = arith.muli %scan3A_168, %mul3A_199 : i32
        %add3A_201 = arith.constant 0 : i32
        %add3A_202 = arith.addi %mul3A_200, %add3A_201 : i32
        %get3A_203 = arith.index_cast %add3A_202 : i32 to index
        %get3A_204 = arith.constant 32 : index
        %get3A_205 = tpu.vector_load %arg8[%get3A_203, %get3A_204] {strides = array<i32>} : memref<128x128xf32, #tpu.memory_space<vmem>>, vector<1x16xf32>,
        %get3A_206 = vector.shape_cast %get3A_205 : vector<1x16xf32> to vector<16xf32>
        %mul3A_207 = arith.constant 11.3137083 : f32
        %mul3A_208 = vector.broadcast %mul3A_207 : f32 to vector<16xf32>
        %mul3A_209 = arith.mulf %get3A_206, %mul3A_208 : vector<16xf32>
        %swap3A_210 = arith.index_cast %add3A_202 : i32 to index
        %swap3A_211 = arith.constant 32 : index
        %swap3A_212 = tpu.vector_load %arg8[%swap3A_210, %swap3A_211] {strides = array<i32>} : memref<128x128xf32, #tpu.memory_space<vmem>>, vector<1x16xf32>,
        %swap3A_213 = vector.shape_cast %swap3A_212 : vector<1x16xf32> to vector<16xf32>
        %swap3A_214 = vector.shape_cast %mul3A_209 : vector<16xf32> to vector<1x16xf32>
        tpu.vector_store %arg8[%swap3A_210, %swap3A_211], %swap3A_214 {strides = array<i32>} : memref<128x128xf32, #tpu.memory_space<vmem>>, vector<1x16xf32>,
        %mul3A_215 = arith.constant 2 : i32
        %mul3A_216 = arith.muli %scan3A_168, %mul3A_215 : i32
        %add3A_217 = arith.constant 0 : i32
        %add3A_218 = arith.addi %mul3A_216, %add3A_217 : i32
        %get3A_219 = arith.index_cast %add3A_218 : i32 to index
        %get3A_220 = arith.constant 48 : index
        %get3A_221 = tpu.vector_load %arg8[%get3A_219, %get3A_220] {strides = array<i32>} : memref<128x128xf32, #tpu.memory_space<vmem>>, vector<1x16xf32>,
        %get3A_222 = vector.shape_cast %get3A_221 : vector<1x16xf32> to vector<16xf32>
        %mul3A_223 = arith.constant 11.3137083 : f32
        %mul3A_224 = vector.broadcast %mul3A_223 : f32 to vector<16xf32>
        %mul3A_225 = arith.mulf %get3A_222, %mul3A_224 : vector<16xf32>
        %swap3A_226 = arith.index_cast %add3A_218 : i32 to index
        %swap3A_227 = arith.constant 48 : index
        %swap3A_228 = tpu.vector_load %arg8[%swap3A_226, %swap3A_227] {strides = array<i32>} : memref<128x128xf32, #tpu.memory_space<vmem>>, vector<1x16xf32>,
        %swap3A_229 = vector.shape_cast %swap3A_228 : vector<1x16xf32> to vector<16xf32>
        %swap3A_230 = vector.shape_cast %mul3A_225 : vector<16xf32> to vector<1x16xf32>
        tpu.vector_store %arg8[%swap3A_226, %swap3A_227], %swap3A_230 {strides = array<i32>} : memref<128x128xf32, #tpu.memory_space<vmem>>, vector<1x16xf32>,
        %mul3A_231 = arith.constant 2 : i32
        %mul3A_232 = arith.muli %scan3A_168, %mul3A_231 : i32
        %add3A_233 = arith.constant 0 : i32
        %add3A_234 = arith.addi %mul3A_232, %add3A_233 : i32
        %get3A_235 = arith.index_cast %add3A_234 : i32 to index
        %get3A_236 = arith.constant 64 : index
        %get3A_237 = tpu.vector_load %arg8[%get3A_235, %get3A_236] {strides = array<i32>} : memref<128x128xf32, #tpu.memory_space<vmem>>, vector<1x16xf32>,
        %get3A_238 = vector.shape_cast %get3A_237 : vector<1x16xf32> to vector<16xf32>
        %mul3A_239 = arith.constant 11.3137083 : f32
        %mul3A_240 = vector.broadcast %mul3A_239 : f32 to vector<16xf32>
        %mul3A_241 = arith.mulf %get3A_238, %mul3A_240 : vector<16xf32>
        %swap3A_242 = arith.index_cast %add3A_234 : i32 to index
        %swap3A_243 = arith.constant 64 : index
        %swap3A_244 = tpu.vector_load %arg8[%swap3A_242, %swap3A_243] {strides = array<i32>} : memref<128x128xf32, #tpu.memory_space<vmem>>, vector<1x16xf32>,
        %swap3A_245 = vector.shape_cast %swap3A_244 : vector<1x16xf32> to vector<16xf32>
        %swap3A_246 = vector.shape_cast %mul3A_241 : vector<16xf32> to vector<1x16xf32>
        tpu.vector_store %arg8[%swap3A_242, %swap3A_243], %swap3A_246 {strides = array<i32>} : memref<128x128xf32, #tpu.memory_space<vmem>>, vector<1x16xf32>,
        %mul3A_247 = arith.constant 2 : i32
        %mul3A_248 = arith.muli %scan3A_168, %mul3A_247 : i32
        %add3A_249 = arith.constant 0 : i32
        %add3A_250 = arith.addi %mul3A_248, %add3A_249 : i32
        %get3A_251 = arith.index_cast %add3A_250 : i32 to index
        %get3A_252 = arith.constant 80 : index
        %get3A_253 = tpu.vector_load %arg8[%get3A_251, %get3A_252] {strides = array<i32>} : memref<128x128xf32, #tpu.memory_space<vmem>>, vector<1x16xf32>,
        %get3A_254 = vector.shape_cast %get3A_253 : vector<1x16xf32> to vector<16xf32>
        %mul3A_255 = arith.constant 11.3137083 : f32
        %mul3A_256 = vector.broadcast %mul3A_255 : f32 to vector<16xf32>
        %mul3A_257 = arith.mulf %get3A_254, %mul3A_256 : vector<16xf32>
        %swap3A_258 = arith.index_cast %add3A_250 : i32 to index
        %swap3A_259 = arith.constant 80 : index
        %swap3A_260 = tpu.vector_load %arg8[%swap3A_258, %swap3A_259] {strides = array<i32>} : memref<128x128xf32, #tpu.memory_space<vmem>>, vector<1x16xf32>,
        %swap3A_261 = vector.shape_cast %swap3A_260 : vector<1x16xf32> to vector<16xf32>
        %swap3A_262 = vector.shape_cast %mul3A_257 : vector<16xf32> to vector<1x16xf32>
        tpu.vector_store %arg8[%swap3A_258, %swap3A_259], %swap3A_262 {strides = array<i32>} : memref<128x128xf32, #tpu.memory_space<vmem>>, vector<1x16xf32>,
        %mul3A_263 = arith.constant 2 : i32
        %mul3A_264 = arith.muli %scan3A_168, %mul3A_263 : i32
        %add3A_265 = arith.constant 0 : i32
        %add3A_266 = arith.addi %mul3A_264, %add3A_265 : i32
        %get3A_267 = arith.index_cast %add3A_266 : i32 to index
        %get3A_268 = arith.constant 96 : index
        %get3A_269 = tpu.vector_load %arg8[%get3A_267, %get3A_268] {strides = array<i32>} : memref<128x128xf32, #tpu.memory_space<vmem>>, vector<1x16xf32>,
        %get3A_270 = vector.shape_cast %get3A_269 : vector<1x16xf32> to vector<16xf32>
        %mul3A_271 = arith.constant 11.3137083 : f32
        %mul3A_272 = vector.broadcast %mul3A_271 : f32 to vector<16xf32>
        %mul3A_273 = arith.mulf %get3A_270, %mul3A_272 : vector<16xf32>
        %swap3A_274 = arith.index_cast %add3A_266 : i32 to index
        %swap3A_275 = arith.constant 96 : index
        %swap3A_276 = tpu.vector_load %arg8[%swap3A_274, %swap3A_275] {strides = array<i32>} : memref<128x128xf32, #tpu.memory_space<vmem>>, vector<1x16xf32>,
        %swap3A_277 = vector.shape_cast %swap3A_276 : vector<1x16xf32> to vector<16xf32>
        %swap3A_278 = vector.shape_cast %mul3A_273 : vector<16xf32> to vector<1x16xf32>
        tpu.vector_store %arg8[%swap3A_274, %swap3A_275], %swap3A_278 {strides = array<i32>} : memref<128x128xf32, #tpu.memory_space<vmem>>, vector<1x16xf32>,
        %mul3A_279 = arith.constant 2 : i32
        %mul3A_280 = arith.muli %scan3A_168, %mul3A_279 : i32
        %add3A_281 = arith.constant 0 : i32
        %add3A_282 = arith.addi %mul3A_280, %add3A_281 : i32
        %get3A_283 = arith.index_cast %add3A_282 : i32 to index
        %get3A_284 = arith.constant 112 : index
        %get3A_285 = tpu.vector_load %arg8[%get3A_283, %get3A_284] {strides = array<i32>} : memref<128x128xf32, #tpu.memory_space<vmem>>, vector<1x16xf32>,
        %get3A_286 = vector.shape_cast %get3A_285 : vector<1x16xf32> to vector<16xf32>
        %mul3A_287 = arith.constant 11.3137083 : f32
        %mul3A_288 = vector.broadcast %mul3A_287 : f32 to vector<16xf32>
        %mul3A_289 = arith.mulf %get3A_286, %mul3A_288 : vector<16xf32>
        %swap3A_290 = arith.index_cast %add3A_282 : i32 to index
        %swap3A_291 = arith.constant 112 : index
        %swap3A_292 = tpu.vector_load %arg8[%swap3A_290, %swap3A_291] {strides = array<i32>} : memref<128x128xf32, #tpu.memory_space<vmem>>, vector<1x16xf32>,
        %swap3A_293 = vector.shape_cast %swap3A_292 : vector<1x16xf32> to vector<16xf32>
        %swap3A_294 = vector.shape_cast %mul3A_289 : vector<16xf32> to vector<1x16xf32>
        tpu.vector_store %arg8[%swap3A_290, %swap3A_291], %swap3A_294 {strides = array<i32>} : memref<128x128xf32, #tpu.memory_space<vmem>>, vector<1x16xf32>,
        %mul3A_295 = arith.constant 2 : i32
        %mul3A_296 = arith.muli %scan3A_168, %mul3A_295 : i32
        %add3A_297 = arith.constant 1 : i32
        %add3A_298 = arith.addi %mul3A_296, %add3A_297 : i32
        %get3A_299 = arith.index_cast %add3A_298 : i32 to index
        %get3A_300 = arith.constant 0 : index
        %get3A_301 = tpu.vector_load %arg8[%get3A_299, %get3A_300] {strides = array<i32>} : memref<128x128xf32, #tpu.memory_space<vmem>>, vector<1x16xf32>,
        %get3A_302 = vector.shape_cast %get3A_301 : vector<1x16xf32> to vector<16xf32>
        %mul3A_303 = arith.constant 11.3137083 : f32
        %mul3A_304 = vector.broadcast %mul3A_303 : f32 to vector<16xf32>
        %mul3A_305 = arith.mulf %get3A_302, %mul3A_304 : vector<16xf32>
        %swap3A_306 = arith.index_cast %add3A_298 : i32 to index
        %swap3A_307 = arith.constant 0 : index
        %swap3A_308 = tpu.vector_load %arg8[%swap3A_306, %swap3A_307] {strides = array<i32>} : memref<128x128xf32, #tpu.memory_space<vmem>>, vector<1x16xf32>,
        %swap3A_309 = vector.shape_cast %swap3A_308 : vector<1x16xf32> to vector<16xf32>
        %swap3A_310 = vector.shape_cast %mul3A_305 : vector<16xf32> to vector<1x16xf32>
        tpu.vector_store %arg8[%swap3A_306, %swap3A_307], %swap3A_310 {strides = array<i32>} : memref<128x128xf32, #tpu.memory_space<vmem>>, vector<1x16xf32>,
        %mul3A_311 = arith.constant 2 : i32
        %mul3A_312 = arith.muli %scan3A_168, %mul3A_311 : i32
        %add3A_313 = arith.constant 1 : i32
        %add3A_314 = arith.addi %mul3A_312, %add3A_313 : i32
        %get3A_315 = arith.index_cast %add3A_314 : i32 to index
        %get3A_316 = arith.constant 16 : index
        %get3A_317 = tpu.vector_load %arg8[%get3A_315, %get3A_316] {strides = array<i32>} : memref<128x128xf32, #tpu.memory_space<vmem>>, vector<1x16xf32>,
        %get3A_318 = vector.shape_cast %get3A_317 : vector<1x16xf32> to vector<16xf32>
        %mul3A_319 = arith.constant 11.3137083 : f32
        %mul3A_320 = vector.broadcast %mul3A_319 : f32 to vector<16xf32>
        %mul3A_321 = arith.mulf %get3A_318, %mul3A_320 : vector<16xf32>
        %swap3A_322 = arith.index_cast %add3A_314 : i32 to index
        %swap3A_323 = arith.constant 16 : index
        %swap3A_324 = tpu.vector_load %arg8[%swap3A_322, %swap3A_323] {strides = array<i32>} : memref<128x128xf32, #tpu.memory_space<vmem>>, vector<1x16xf32>,
        %swap3A_325 = vector.shape_cast %swap3A_324 : vector<1x16xf32> to vector<16xf32>
        %swap3A_326 = vector.shape_cast %mul3A_321 : vector<16xf32> to vector<1x16xf32>
        tpu.vector_store %arg8[%swap3A_322, %swap3A_323], %swap3A_326 {strides = array<i32>} : memref<128x128xf32, #tpu.memory_space<vmem>>, vector<1x16xf32>,
        %mul3A_327 = arith.constant 2 : i32
        %mul3A_328 = arith.muli %scan3A_168, %mul3A_327 : i32
        %add3A_329 = arith.constant 1 : i32
        %add3A_330 = arith.addi %mul3A_328, %add3A_329 : i32
        %get3A_331 = arith.index_cast %add3A_330 : i32 to index
        %get3A_332 = arith.constant 32 : index
        %get3A_333 = tpu.vector_load %arg8[%get3A_331, %get3A_332] {strides = array<i32>} : memref<128x128xf32, #tpu.memory_space<vmem>>, vector<1x16xf32>,
        %get3A_334 = vector.shape_cast %get3A_333 : vector<1x16xf32> to vector<16xf32>
        %mul3A_335 = arith.constant 11.3137083 : f32
        %mul3A_336 = vector.broadcast %mul3A_335 : f32 to vector<16xf32>
        %mul3A_337 = arith.mulf %get3A_334, %mul3A_336 : vector<16xf32>
        %swap3A_338 = arith.index_cast %add3A_330 : i32 to index
        %swap3A_339 = arith.constant 32 : index
        %swap3A_340 = tpu.vector_load %arg8[%swap3A_338, %swap3A_339] {strides = array<i32>} : memref<128x128xf32, #tpu.memory_space<vmem>>, vector<1x16xf32>,
        %swap3A_341 = vector.shape_cast %swap3A_340 : vector<1x16xf32> to vector<16xf32>
        %swap3A_342 = vector.shape_cast %mul3A_337 : vector<16xf32> to vector<1x16xf32>
        tpu.vector_store %arg8[%swap3A_338, %swap3A_339], %swap3A_342 {strides = array<i32>} : memref<128x128xf32, #tpu.memory_space<vmem>>, vector<1x16xf32>,
        %mul3A_343 = arith.constant 2 : i32
        %mul3A_344 = arith.muli %scan3A_168, %mul3A_343 : i32
        %add3A_345 = arith.constant 1 : i32
        %add3A_346 = arith.addi %mul3A_344, %add3A_345 : i32
        %get3A_347 = arith.index_cast %add3A_346 : i32 to index
        %get3A_348 = arith.constant 48 : index
        %get3A_349 = tpu.vector_load %arg8[%get3A_347, %get3A_348] {strides = array<i32>} : memref<128x128xf32, #tpu.memory_space<vmem>>, vector<1x16xf32>,
        %get3A_350 = vector.shape_cast %get3A_349 : vector<1x16xf32> to vector<16xf32>
        %mul3A_351 = arith.constant 11.3137083 : f32
        %mul3A_352 = vector.broadcast %mul3A_351 : f32 to vector<16xf32>
        %mul3A_353 = arith.mulf %get3A_350, %mul3A_352 : vector<16xf32>
        %swap3A_354 = arith.index_cast %add3A_346 : i32 to index
        %swap3A_355 = arith.constant 48 : index
        %swap3A_356 = tpu.vector_load %arg8[%swap3A_354, %swap3A_355] {strides = array<i32>} : memref<128x128xf32, #tpu.memory_space<vmem>>, vector<1x16xf32>,
        %swap3A_357 = vector.shape_cast %swap3A_356 : vector<1x16xf32> to vector<16xf32>
        %swap3A_358 = vector.shape_cast %mul3A_353 : vector<16xf32> to vector<1x16xf32>
        tpu.vector_store %arg8[%swap3A_354, %swap3A_355], %swap3A_358 {strides = array<i32>} : memref<128x128xf32, #tpu.memory_space<vmem>>, vector<1x16xf32>,
        %mul3A_359 = arith.constant 2 : i32
        %mul3A_360 = arith.muli %scan3A_168, %mul3A_359 : i32
        %add3A_361 = arith.constant 1 : i32
        %add3A_362 = arith.addi %mul3A_360, %add3A_361 : i32
        %get3A_363 = arith.index_cast %add3A_362 : i32 to index
        %get3A_364 = arith.constant 64 : index
        %get3A_365 = tpu.vector_load %arg8[%get3A_363, %get3A_364] {strides = array<i32>} : memref<128x128xf32, #tpu.memory_space<vmem>>, vector<1x16xf32>,
        %get3A_366 = vector.shape_cast %get3A_365 : vector<1x16xf32> to vector<16xf32>
        %mul3A_367 = arith.constant 11.3137083 : f32
        %mul3A_368 = vector.broadcast %mul3A_367 : f32 to vector<16xf32>
        %mul3A_369 = arith.mulf %get3A_366, %mul3A_368 : vector<16xf32>
        %swap3A_370 = arith.index_cast %add3A_362 : i32 to index
        %swap3A_371 = arith.constant 64 : index
        %swap3A_372 = tpu.vector_load %arg8[%swap3A_370, %swap3A_371] {strides = array<i32>} : memref<128x128xf32, #tpu.memory_space<vmem>>, vector<1x16xf32>,
        %swap3A_373 = vector.shape_cast %swap3A_372 : vector<1x16xf32> to vector<16xf32>
        %swap3A_374 = vector.shape_cast %mul3A_369 : vector<16xf32> to vector<1x16xf32>
        tpu.vector_store %arg8[%swap3A_370, %swap3A_371], %swap3A_374 {strides = array<i32>} : memref<128x128xf32, #tpu.memory_space<vmem>>, vector<1x16xf32>,
        %mul3A_375 = arith.constant 2 : i32
        %mul3A_376 = arith.muli %scan3A_168, %mul3A_375 : i32
        %add3A_377 = arith.constant 1 : i32
        %add3A_378 = arith.addi %mul3A_376, %add3A_377 : i32
        %get3A_379 = arith.index_cast %add3A_378 : i32 to index
        %get3A_380 = arith.constant 80 : index
        %get3A_381 = tpu.vector_load %arg8[%get3A_379, %get3A_380] {strides = array<i32>} : memref<128x128xf32, #tpu.memory_space<vmem>>, vector<1x16xf32>,
        %get3A_382 = vector.shape_cast %get3A_381 : vector<1x16xf32> to vector<16xf32>
        %mul3A_383 = arith.constant 11.3137083 : f32
        %mul3A_384 = vector.broadcast %mul3A_383 : f32 to vector<16xf32>
        %mul3A_385 = arith.mulf %get3A_382, %mul3A_384 : vector<16xf32>
        %swap3A_386 = arith.index_cast %add3A_378 : i32 to index
        %swap3A_387 = arith.constant 80 : index
        %swap3A_388 = tpu.vector_load %arg8[%swap3A_386, %swap3A_387] {strides = array<i32>} : memref<128x128xf32, #tpu.memory_space<vmem>>, vector<1x16xf32>,
        %swap3A_389 = vector.shape_cast %swap3A_388 : vector<1x16xf32> to vector<16xf32>
        %swap3A_390 = vector.shape_cast %mul3A_385 : vector<16xf32> to vector<1x16xf32>
        tpu.vector_store %arg8[%swap3A_386, %swap3A_387], %swap3A_390 {strides = array<i32>} : memref<128x128xf32, #tpu.memory_space<vmem>>, vector<1x16xf32>,
        %mul3A_391 = arith.constant 2 : i32
        %mul3A_392 = arith.muli %scan3A_168, %mul3A_391 : i32
        %add3A_393 = arith.constant 1 : i32
        %add3A_394 = arith.addi %mul3A_392, %add3A_393 : i32
        %get3A_395 = arith.index_cast %add3A_394 : i32 to index
        %get3A_396 = arith.constant 96 : index
        %get3A_397 = tpu.vector_load %arg8[%get3A_395, %get3A_396] {strides = array<i32>} : memref<128x128xf32, #tpu.memory_space<vmem>>, vector<1x16xf32>,
        %get3A_398 = vector.shape_cast %get3A_397 : vector<1x16xf32> to vector<16xf32>
        %mul3A_399 = arith.constant 11.3137083 : f32
        %mul3A_400 = vector.broadcast %mul3A_399 : f32 to vector<16xf32>
        %mul3A_401 = arith.mulf %get3A_398, %mul3A_400 : vector<16xf32>
        %swap3A_402 = arith.index_cast %add3A_394 : i32 to index
        %swap3A_403 = arith.constant 96 : index
        %swap3A_404 = tpu.vector_load %arg8[%swap3A_402, %swap3A_403] {strides = array<i32>} : memref<128x128xf32, #tpu.memory_space<vmem>>, vector<1x16xf32>,
        %swap3A_405 = vector.shape_cast %swap3A_404 : vector<1x16xf32> to vector<16xf32>
        %swap3A_406 = vector.shape_cast %mul3A_401 : vector<16xf32> to vector<1x16xf32>
        tpu.vector_store %arg8[%swap3A_402, %swap3A_403], %swap3A_406 {strides = array<i32>} : memref<128x128xf32, #tpu.memory_space<vmem>>, vector<1x16xf32>,
        %mul3A_407 = arith.constant 2 : i32
        %mul3A_408 = arith.muli %scan3A_168, %mul3A_407 : i32
        %add3A_409 = arith.constant 1 : i32
        %add3A_410 = arith.addi %mul3A_408, %add3A_409 : i32
        %get3A_411 = arith.index_cast %add3A_410 : i32 to index
        %get3A_412 = arith.constant 112 : index
        %get3A_413 = tpu.vector_load %arg8[%get3A_411, %get3A_412] {strides = array<i32>} : memref<128x128xf32, #tpu.memory_space<vmem>>, vector<1x16xf32>,
        %get3A_414 = vector.shape_cast %get3A_413 : vector<1x16xf32> to vector<16xf32>
        %mul3A_415 = arith.constant 11.3137083 : f32
        %mul3A_416 = vector.broadcast %mul3A_415 : f32 to vector<16xf32>
        %mul3A_417 = arith.mulf %get3A_414, %mul3A_416 : vector<16xf32>
        %swap3A_418 = arith.index_cast %add3A_410 : i32 to index
        %swap3A_419 = arith.constant 112 : index
        %swap3A_420 = tpu.vector_load %arg8[%swap3A_418, %swap3A_419] {strides = array<i32>} : memref<128x128xf32, #tpu.memory_space<vmem>>, vector<1x16xf32>,
        %swap3A_421 = vector.shape_cast %swap3A_420 : vector<1x16xf32> to vector<16xf32>
        %swap3A_422 = vector.shape_cast %mul3A_417 : vector<16xf32> to vector<1x16xf32>
        tpu.vector_store %arg8[%swap3A_418, %swap3A_419], %swap3A_422 {strides = array<i32>} : memref<128x128xf32, #tpu.memory_space<vmem>>, vector<1x16xf32>,
      }
      %scan3A_129 = arith.constant 64 : i32
      %mul3A_130 = arith.constant 128 : i32
      %mul3A_131 = arith.muli %add3A_107, %mul3A_130 : i32
      %add3A_132 = arith.addi %mul3A_2, %mul3A_131 : i32
      %dma_start3A_133 = arith.constant 0 : i32
      %dma_start3A_134 = tpu.memref_slice %arg4[%add3A_132, %dma_start3A_133] : memref<819200x128xf32, #tpu.memory_space<hbm>> -> memref<128x128xf32, #tpu.memory_space<hbm>>
      %dma_start3A_135 = arith.constant 0 : i32
      %dma_start3A_136 = tpu.memref_slice %arg4[%add3A_132, %dma_start3A_135] : memref<819200x128xf32, #tpu.memory_space<hbm>> -> memref<128x128xf32, #tpu.memory_space<hbm>>
      tpu.enqueue_dma source(%arg8 : memref<128x128xf32, #tpu.memory_space<vmem>>) target(%dma_start3A_136 : memref<128x128xf32, #tpu.memory_space<hbm>>) target_semaphore(%arg16 : memref<!tpu.dma_semaphore, #tpu.memory_space<semaphore_mem>>)
      %add3A_137 = arith.constant 3 : i32
      %add3A_138 = arith.addi %mul3A_47, %add3A_137 : i32
      %dma_wait3A_139 = arith.constant 0 : i32
      %dma_wait3A_140 = arith.constant 0 : i32
      %dma_wait3A_141 = tpu.memref_slice %arg5[%dma_wait3A_139, %dma_wait3A_140] : memref<200x128xi32, #tpu.memory_space<vmem>> -> memref<1x128xi32, #tpu.memory_space<vmem>>
      %dma_wait3A_142 = tpu.memref_squeeze %dma_wait3A_141 : memref<1x128xi32, #tpu.memory_space<vmem>> -> memref<128xi32, #tpu.memory_space<vmem>>
      %dma_wait3A_143 = arith.constant 0 : i32
      %dma_wait3A_144 = arith.constant 0 : i32
      %dma_wait3A_145 = tpu.memref_slice %arg3[%dma_wait3A_143, %dma_wait3A_144] : memref<100000x128xf32, #tpu.memory_space<hbm>> -> memref<100000x128xf32, #tpu.memory_space<hbm>>
      tpu.wait_indirect_dma semaphore(%arg13 : memref<!tpu.dma_semaphore, #tpu.memory_space<semaphore_mem>>) src(%dma_wait3A_145 : memref<100000x128xf32, #tpu.memory_space<hbm>>) dst(%arg9 : memref<128x128xf32, #tpu.memory_space<vmem>>)
      %add3A_146 = arith.constant 4 : i32
      %add3A_147 = arith.addi %add3A_138, %add3A_146 : i32
      %sub3A_148 = arith.constant 1 : i32
      %sub3A_149 = arith.subi %add3A_147, %sub3A_148 : i32
      %lt3A_150 = arith.constant 200 : i32
      %lt3A_151 = arith.cmpi slt, %sub3A_149, %lt3A_150 : i32
      %convert_element_type3A_152 = arith.extui %lt3A_151 : i1 to i32
      %cond3A_153 = arith.constant 0 : i32
      %cond3A_154 = arith.cmpi ne, %convert_element_type3A_152, %cond3A_153 : i32
      scf.if %cond3A_154 {
        %ge3A = arith.constant 1 : i32
        %ge3A_168 = arith.cmpi sge, %add3A_138, %ge3A : i32
        %convert_element_type3A_169 = arith.extui %ge3A_168 : i1 to i32
        %cond3A_170 = arith.constant 0 : i32
        %cond3A_171 = arith.cmpi ne, %convert_element_type3A_169, %cond3A_170 : i32
        scf.if %cond3A_171 {
          %dma_wait3A_182 = arith.constant 0 : i32
          %dma_wait3A_183 = tpu.memref_slice %arg4[%mul3A_2, %dma_wait3A_182] : memref<819200x128xf32, #tpu.memory_space<hbm>> -> memref<128x128xf32, #tpu.memory_space<hbm>>
          %dma_wait3A_184 = arith.constant 0 : i32
          %dma_wait3A_185 = tpu.memref_slice %arg4[%mul3A_2, %dma_wait3A_184] : memref<819200x128xf32, #tpu.memory_space<hbm>> -> memref<128x128xf32, #tpu.memory_space<hbm>>
          tpu.wait_dma2 semaphore(%arg16 : memref<!tpu.dma_semaphore, #tpu.memory_space<semaphore_mem>>) src(%arg8 : memref<128x128xf32, #tpu.memory_space<vmem>>) dst(%dma_wait3A_185 : memref<128x128xf32, #tpu.memory_space<hbm>>)
        } else {
        }
        %add3A_172 = arith.constant 4 : i32
        %add3A_173 = arith.addi %add3A_138, %add3A_172 : i32
        %sub3A_174 = arith.constant 1 : i32
        %sub3A_175 = arith.subi %add3A_173, %sub3A_174 : i32
        %dma_start3A_176 = arith.constant 0 : i32
        %dma_start3A_177 = tpu.memref_slice %arg5[%sub3A_175, %dma_start3A_176] : memref<200x128xi32, #tpu.memory_space<vmem>> -> memref<1x128xi32, #tpu.memory_space<vmem>>
        %dma_start3A_178 = tpu.memref_squeeze %dma_start3A_177 : memref<1x128xi32, #tpu.memory_space<vmem>> -> memref<128xi32, #tpu.memory_space<vmem>>
        %dma_start3A_179 = arith.constant 0 : i32
        %dma_start3A_180 = arith.constant 0 : i32
        %dma_start3A_181 = tpu.memref_slice %arg3[%dma_start3A_179, %dma_start3A_180] : memref<100000x128xf32, #tpu.memory_space<hbm>> -> memref<100000x128xf32, #tpu.memory_space<hbm>>
        tpu.enqueue_indirect_dma source(%dma_start3A_181 : memref<100000x128xf32, #tpu.memory_space<hbm>>) target(%arg8 : memref<128x128xf32, #tpu.memory_space<vmem>>) offsets(%dma_start3A_178 : memref<128xi32, #tpu.memory_space<vmem>>) semaphore(%arg12 : memref<!tpu.dma_semaphore, #tpu.memory_space<semaphore_mem>>)
      } else {
      }
      %scan3A_155 = arith.constant 0 : i32
      %scan3A_156 = arith.constant 0 : i32
      %scan3A_157 = arith.constant 64 : i32
      %scan3A_158 = arith.addi %scan3A_156, %scan3A_157 : i32
      %scan3A_159 = arith.constant 1 : i32
      scf.for %scan3A_168 = %scan3A_156 to %scan3A_158 step %scan3A_159  : i32 {
        %mul3A_169 = arith.constant 2 : i32
        %mul3A_170 = arith.muli %scan3A_168, %mul3A_169 : i32
        %add3A_171 = arith.constant 0 : i32
        %add3A_172 = arith.addi %mul3A_170, %add3A_171 : i32
        %get3A = arith.index_cast %add3A_172 : i32 to index
        %get3A_173 = arith.constant 0 : index
        %get3A_174 = tpu.vector_load %arg9[%get3A, %get3A_173] {strides = array<i32>} : memref<128x128xf32, #tpu.memory_space<vmem>>, vector<1x16xf32>,
        %get3A_175 = vector.shape_cast %get3A_174 : vector<1x16xf32> to vector<16xf32>
        %mul3A_176 = arith.constant 11.3137083 : f32
        %mul3A_177 = vector.broadcast %mul3A_176 : f32 to vector<16xf32>
        %mul3A_178 = arith.mulf %get3A_175, %mul3A_177 : vector<16xf32>
        %swap3A = arith.index_cast %add3A_172 : i32 to index
        %swap3A_179 = arith.constant 0 : index
        %swap3A_180 = tpu.vector_load %arg9[%swap3A, %swap3A_179] {strides = array<i32>} : memref<128x128xf32, #tpu.memory_space<vmem>>, vector<1x16xf32>,
        %swap3A_181 = vector.shape_cast %swap3A_180 : vector<1x16xf32> to vector<16xf32>
        %swap3A_182 = vector.shape_cast %mul3A_178 : vector<16xf32> to vector<1x16xf32>
        tpu.vector_store %arg9[%swap3A, %swap3A_179], %swap3A_182 {strides = array<i32>} : memref<128x128xf32, #tpu.memory_space<vmem>>, vector<1x16xf32>,
        %mul3A_183 = arith.constant 2 : i32
        %mul3A_184 = arith.muli %scan3A_168, %mul3A_183 : i32
        %add3A_185 = arith.constant 0 : i32
        %add3A_186 = arith.addi %mul3A_184, %add3A_185 : i32
        %get3A_187 = arith.index_cast %add3A_186 : i32 to index
        %get3A_188 = arith.constant 16 : index
        %get3A_189 = tpu.vector_load %arg9[%get3A_187, %get3A_188] {strides = array<i32>} : memref<128x128xf32, #tpu.memory_space<vmem>>, vector<1x16xf32>,
        %get3A_190 = vector.shape_cast %get3A_189 : vector<1x16xf32> to vector<16xf32>
        %mul3A_191 = arith.constant 11.3137083 : f32
        %mul3A_192 = vector.broadcast %mul3A_191 : f32 to vector<16xf32>
        %mul3A_193 = arith.mulf %get3A_190, %mul3A_192 : vector<16xf32>
        %swap3A_194 = arith.index_cast %add3A_186 : i32 to index
        %swap3A_195 = arith.constant 16 : index
        %swap3A_196 = tpu.vector_load %arg9[%swap3A_194, %swap3A_195] {strides = array<i32>} : memref<128x128xf32, #tpu.memory_space<vmem>>, vector<1x16xf32>,
        %swap3A_197 = vector.shape_cast %swap3A_196 : vector<1x16xf32> to vector<16xf32>
        %swap3A_198 = vector.shape_cast %mul3A_193 : vector<16xf32> to vector<1x16xf32>
        tpu.vector_store %arg9[%swap3A_194, %swap3A_195], %swap3A_198 {strides = array<i32>} : memref<128x128xf32, #tpu.memory_space<vmem>>, vector<1x16xf32>,
        %mul3A_199 = arith.constant 2 : i32
        %mul3A_200 = arith.muli %scan3A_168, %mul3A_199 : i32
        %add3A_201 = arith.constant 0 : i32
        %add3A_202 = arith.addi %mul3A_200, %add3A_201 : i32
        %get3A_203 = arith.index_cast %add3A_202 : i32 to index
        %get3A_204 = arith.constant 32 : index
        %get3A_205 = tpu.vector_load %arg9[%get3A_203, %get3A_204] {strides = array<i32>} : memref<128x128xf32, #tpu.memory_space<vmem>>, vector<1x16xf32>,
        %get3A_206 = vector.shape_cast %get3A_205 : vector<1x16xf32> to vector<16xf32>
        %mul3A_207 = arith.constant 11.3137083 : f32
        %mul3A_208 = vector.broadcast %mul3A_207 : f32 to vector<16xf32>
        %mul3A_209 = arith.mulf %get3A_206, %mul3A_208 : vector<16xf32>
        %swap3A_210 = arith.index_cast %add3A_202 : i32 to index
        %swap3A_211 = arith.constant 32 : index
        %swap3A_212 = tpu.vector_load %arg9[%swap3A_210, %swap3A_211] {strides = array<i32>} : memref<128x128xf32, #tpu.memory_space<vmem>>, vector<1x16xf32>,
        %swap3A_213 = vector.shape_cast %swap3A_212 : vector<1x16xf32> to vector<16xf32>
        %swap3A_214 = vector.shape_cast %mul3A_209 : vector<16xf32> to vector<1x16xf32>
        tpu.vector_store %arg9[%swap3A_210, %swap3A_211], %swap3A_214 {strides = array<i32>} : memref<128x128xf32, #tpu.memory_space<vmem>>, vector<1x16xf32>,
        %mul3A_215 = arith.constant 2 : i32
        %mul3A_216 = arith.muli %scan3A_168, %mul3A_215 : i32
        %add3A_217 = arith.constant 0 : i32
        %add3A_218 = arith.addi %mul3A_216, %add3A_217 : i32
        %get3A_219 = arith.index_cast %add3A_218 : i32 to index
        %get3A_220 = arith.constant 48 : index
        %get3A_221 = tpu.vector_load %arg9[%get3A_219, %get3A_220] {strides = array<i32>} : memref<128x128xf32, #tpu.memory_space<vmem>>, vector<1x16xf32>,
        %get3A_222 = vector.shape_cast %get3A_221 : vector<1x16xf32> to vector<16xf32>
        %mul3A_223 = arith.constant 11.3137083 : f32
        %mul3A_224 = vector.broadcast %mul3A_223 : f32 to vector<16xf32>
        %mul3A_225 = arith.mulf %get3A_222, %mul3A_224 : vector<16xf32>
        %swap3A_226 = arith.index_cast %add3A_218 : i32 to index
        %swap3A_227 = arith.constant 48 : index
        %swap3A_228 = tpu.vector_load %arg9[%swap3A_226, %swap3A_227] {strides = array<i32>} : memref<128x128xf32, #tpu.memory_space<vmem>>, vector<1x16xf32>,
        %swap3A_229 = vector.shape_cast %swap3A_228 : vector<1x16xf32> to vector<16xf32>
        %swap3A_230 = vector.shape_cast %mul3A_225 : vector<16xf32> to vector<1x16xf32>
        tpu.vector_store %arg9[%swap3A_226, %swap3A_227], %swap3A_230 {strides = array<i32>} : memref<128x128xf32, #tpu.memory_space<vmem>>, vector<1x16xf32>,
        %mul3A_231 = arith.constant 2 : i32
        %mul3A_232 = arith.muli %scan3A_168, %mul3A_231 : i32
        %add3A_233 = arith.constant 0 : i32
        %add3A_234 = arith.addi %mul3A_232, %add3A_233 : i32
        %get3A_235 = arith.index_cast %add3A_234 : i32 to index
        %get3A_236 = arith.constant 64 : index
        %get3A_237 = tpu.vector_load %arg9[%get3A_235, %get3A_236] {strides = array<i32>} : memref<128x128xf32, #tpu.memory_space<vmem>>, vector<1x16xf32>,
        %get3A_238 = vector.shape_cast %get3A_237 : vector<1x16xf32> to vector<16xf32>
        %mul3A_239 = arith.constant 11.3137083 : f32
        %mul3A_240 = vector.broadcast %mul3A_239 : f32 to vector<16xf32>
        %mul3A_241 = arith.mulf %get3A_238, %mul3A_240 : vector<16xf32>
        %swap3A_242 = arith.index_cast %add3A_234 : i32 to index
        %swap3A_243 = arith.constant 64 : index
        %swap3A_244 = tpu.vector_load %arg9[%swap3A_242, %swap3A_243] {strides = array<i32>} : memref<128x128xf32, #tpu.memory_space<vmem>>, vector<1x16xf32>,
        %swap3A_245 = vector.shape_cast %swap3A_244 : vector<1x16xf32> to vector<16xf32>
        %swap3A_246 = vector.shape_cast %mul3A_241 : vector<16xf32> to vector<1x16xf32>
        tpu.vector_store %arg9[%swap3A_242, %swap3A_243], %swap3A_246 {strides = array<i32>} : memref<128x128xf32, #tpu.memory_space<vmem>>, vector<1x16xf32>,
        %mul3A_247 = arith.constant 2 : i32
        %mul3A_248 = arith.muli %scan3A_168, %mul3A_247 : i32
        %add3A_249 = arith.constant 0 : i32
        %add3A_250 = arith.addi %mul3A_248, %add3A_249 : i32
        %get3A_251 = arith.index_cast %add3A_250 : i32 to index
        %get3A_252 = arith.constant 80 : index
        %get3A_253 = tpu.vector_load %arg9[%get3A_251, %get3A_252] {strides = array<i32>} : memref<128x128xf32, #tpu.memory_space<vmem>>, vector<1x16xf32>,
        %get3A_254 = vector.shape_cast %get3A_253 : vector<1x16xf32> to vector<16xf32>
        %mul3A_255 = arith.constant 11.3137083 : f32
        %mul3A_256 = vector.broadcast %mul3A_255 : f32 to vector<16xf32>
        %mul3A_257 = arith.mulf %get3A_254, %mul3A_256 : vector<16xf32>
        %swap3A_258 = arith.index_cast %add3A_250 : i32 to index
        %swap3A_259 = arith.constant 80 : index
        %swap3A_260 = tpu.vector_load %arg9[%swap3A_258, %swap3A_259] {strides = array<i32>} : memref<128x128xf32, #tpu.memory_space<vmem>>, vector<1x16xf32>,
        %swap3A_261 = vector.shape_cast %swap3A_260 : vector<1x16xf32> to vector<16xf32>
        %swap3A_262 = vector.shape_cast %mul3A_257 : vector<16xf32> to vector<1x16xf32>
        tpu.vector_store %arg9[%swap3A_258, %swap3A_259], %swap3A_262 {strides = array<i32>} : memref<128x128xf32, #tpu.memory_space<vmem>>, vector<1x16xf32>,
        %mul3A_263 = arith.constant 2 : i32
        %mul3A_264 = arith.muli %scan3A_168, %mul3A_263 : i32
        %add3A_265 = arith.constant 0 : i32
        %add3A_266 = arith.addi %mul3A_264, %add3A_265 : i32
        %get3A_267 = arith.index_cast %add3A_266 : i32 to index
        %get3A_268 = arith.constant 96 : index
        %get3A_269 = tpu.vector_load %arg9[%get3A_267, %get3A_268] {strides = array<i32>} : memref<128x128xf32, #tpu.memory_space<vmem>>, vector<1x16xf32>,
        %get3A_270 = vector.shape_cast %get3A_269 : vector<1x16xf32> to vector<16xf32>
        %mul3A_271 = arith.constant 11.3137083 : f32
        %mul3A_272 = vector.broadcast %mul3A_271 : f32 to vector<16xf32>
        %mul3A_273 = arith.mulf %get3A_270, %mul3A_272 : vector<16xf32>
        %swap3A_274 = arith.index_cast %add3A_266 : i32 to index
        %swap3A_275 = arith.constant 96 : index
        %swap3A_276 = tpu.vector_load %arg9[%swap3A_274, %swap3A_275] {strides = array<i32>} : memref<128x128xf32, #tpu.memory_space<vmem>>, vector<1x16xf32>,
        %swap3A_277 = vector.shape_cast %swap3A_276 : vector<1x16xf32> to vector<16xf32>
        %swap3A_278 = vector.shape_cast %mul3A_273 : vector<16xf32> to vector<1x16xf32>
        tpu.vector_store %arg9[%swap3A_274, %swap3A_275], %swap3A_278 {strides = array<i32>} : memref<128x128xf32, #tpu.memory_space<vmem>>, vector<1x16xf32>,
        %mul3A_279 = arith.constant 2 : i32
        %mul3A_280 = arith.muli %scan3A_168, %mul3A_279 : i32
        %add3A_281 = arith.constant 0 : i32
        %add3A_282 = arith.addi %mul3A_280, %add3A_281 : i32
        %get3A_283 = arith.index_cast %add3A_282 : i32 to index
        %get3A_284 = arith.constant 112 : index
        %get3A_285 = tpu.vector_load %arg9[%get3A_283, %get3A_284] {strides = array<i32>} : memref<128x128xf32, #tpu.memory_space<vmem>>, vector<1x16xf32>,
        %get3A_286 = vector.shape_cast %get3A_285 : vector<1x16xf32> to vector<16xf32>
        %mul3A_287 = arith.constant 11.3137083 : f32
        %mul3A_288 = vector.broadcast %mul3A_287 : f32 to vector<16xf32>
        %mul3A_289 = arith.mulf %get3A_286, %mul3A_288 : vector<16xf32>
        %swap3A_290 = arith.index_cast %add3A_282 : i32 to index
        %swap3A_291 = arith.constant 112 : index
        %swap3A_292 = tpu.vector_load %arg9[%swap3A_290, %swap3A_291] {strides = array<i32>} : memref<128x128xf32, #tpu.memory_space<vmem>>, vector<1x16xf32>,
        %swap3A_293 = vector.shape_cast %swap3A_292 : vector<1x16xf32> to vector<16xf32>
        %swap3A_294 = vector.shape_cast %mul3A_289 : vector<16xf32> to vector<1x16xf32>
        tpu.vector_store %arg9[%swap3A_290, %swap3A_291], %swap3A_294 {strides = array<i32>} : memref<128x128xf32, #tpu.memory_space<vmem>>, vector<1x16xf32>,
        %mul3A_295 = arith.constant 2 : i32
        %mul3A_296 = arith.muli %scan3A_168, %mul3A_295 : i32
        %add3A_297 = arith.constant 1 : i32
        %add3A_298 = arith.addi %mul3A_296, %add3A_297 : i32
        %get3A_299 = arith.index_cast %add3A_298 : i32 to index
        %get3A_300 = arith.constant 0 : index
        %get3A_301 = tpu.vector_load %arg9[%get3A_299, %get3A_300] {strides = array<i32>} : memref<128x128xf32, #tpu.memory_space<vmem>>, vector<1x16xf32>,
        %get3A_302 = vector.shape_cast %get3A_301 : vector<1x16xf32> to vector<16xf32>
        %mul3A_303 = arith.constant 11.3137083 : f32
        %mul3A_304 = vector.broadcast %mul3A_303 : f32 to vector<16xf32>
        %mul3A_305 = arith.mulf %get3A_302, %mul3A_304 : vector<16xf32>
        %swap3A_306 = arith.index_cast %add3A_298 : i32 to index
        %swap3A_307 = arith.constant 0 : index
        %swap3A_308 = tpu.vector_load %arg9[%swap3A_306, %swap3A_307] {strides = array<i32>} : memref<128x128xf32, #tpu.memory_space<vmem>>, vector<1x16xf32>,
        %swap3A_309 = vector.shape_cast %swap3A_308 : vector<1x16xf32> to vector<16xf32>
        %swap3A_310 = vector.shape_cast %mul3A_305 : vector<16xf32> to vector<1x16xf32>
        tpu.vector_store %arg9[%swap3A_306, %swap3A_307], %swap3A_310 {strides = array<i32>} : memref<128x128xf32, #tpu.memory_space<vmem>>, vector<1x16xf32>,
        %mul3A_311 = arith.constant 2 : i32
        %mul3A_312 = arith.muli %scan3A_168, %mul3A_311 : i32
        %add3A_313 = arith.constant 1 : i32
        %add3A_314 = arith.addi %mul3A_312, %add3A_313 : i32
        %get3A_315 = arith.index_cast %add3A_314 : i32 to index
        %get3A_316 = arith.constant 16 : index
        %get3A_317 = tpu.vector_load %arg9[%get3A_315, %get3A_316] {strides = array<i32>} : memref<128x128xf32, #tpu.memory_space<vmem>>, vector<1x16xf32>,
        %get3A_318 = vector.shape_cast %get3A_317 : vector<1x16xf32> to vector<16xf32>
        %mul3A_319 = arith.constant 11.3137083 : f32
        %mul3A_320 = vector.broadcast %mul3A_319 : f32 to vector<16xf32>
        %mul3A_321 = arith.mulf %get3A_318, %mul3A_320 : vector<16xf32>
        %swap3A_322 = arith.index_cast %add3A_314 : i32 to index
        %swap3A_323 = arith.constant 16 : index
        %swap3A_324 = tpu.vector_load %arg9[%swap3A_322, %swap3A_323] {strides = array<i32>} : memref<128x128xf32, #tpu.memory_space<vmem>>, vector<1x16xf32>,
        %swap3A_325 = vector.shape_cast %swap3A_324 : vector<1x16xf32> to vector<16xf32>
        %swap3A_326 = vector.shape_cast %mul3A_321 : vector<16xf32> to vector<1x16xf32>
        tpu.vector_store %arg9[%swap3A_322, %swap3A_323], %swap3A_326 {strides = array<i32>} : memref<128x128xf32, #tpu.memory_space<vmem>>, vector<1x16xf32>,
        %mul3A_327 = arith.constant 2 : i32
        %mul3A_328 = arith.muli %scan3A_168, %mul3A_327 : i32
        %add3A_329 = arith.constant 1 : i32
        %add3A_330 = arith.addi %mul3A_328, %add3A_329 : i32
        %get3A_331 = arith.index_cast %add3A_330 : i32 to index
        %get3A_332 = arith.constant 32 : index
        %get3A_333 = tpu.vector_load %arg9[%get3A_331, %get3A_332] {strides = array<i32>} : memref<128x128xf32, #tpu.memory_space<vmem>>, vector<1x16xf32>,
        %get3A_334 = vector.shape_cast %get3A_333 : vector<1x16xf32> to vector<16xf32>
        %mul3A_335 = arith.constant 11.3137083 : f32
        %mul3A_336 = vector.broadcast %mul3A_335 : f32 to vector<16xf32>
        %mul3A_337 = arith.mulf %get3A_334, %mul3A_336 : vector<16xf32>
        %swap3A_338 = arith.index_cast %add3A_330 : i32 to index
        %swap3A_339 = arith.constant 32 : index
        %swap3A_340 = tpu.vector_load %arg9[%swap3A_338, %swap3A_339] {strides = array<i32>} : memref<128x128xf32, #tpu.memory_space<vmem>>, vector<1x16xf32>,
        %swap3A_341 = vector.shape_cast %swap3A_340 : vector<1x16xf32> to vector<16xf32>
        %swap3A_342 = vector.shape_cast %mul3A_337 : vector<16xf32> to vector<1x16xf32>
        tpu.vector_store %arg9[%swap3A_338, %swap3A_339], %swap3A_342 {strides = array<i32>} : memref<128x128xf32, #tpu.memory_space<vmem>>, vector<1x16xf32>,
        %mul3A_343 = arith.constant 2 : i32
        %mul3A_344 = arith.muli %scan3A_168, %mul3A_343 : i32
        %add3A_345 = arith.constant 1 : i32
        %add3A_346 = arith.addi %mul3A_344, %add3A_345 : i32
        %get3A_347 = arith.index_cast %add3A_346 : i32 to index
        %get3A_348 = arith.constant 48 : index
        %get3A_349 = tpu.vector_load %arg9[%get3A_347, %get3A_348] {strides = array<i32>} : memref<128x128xf32, #tpu.memory_space<vmem>>, vector<1x16xf32>,
        %get3A_350 = vector.shape_cast %get3A_349 : vector<1x16xf32> to vector<16xf32>
        %mul3A_351 = arith.constant 11.3137083 : f32
        %mul3A_352 = vector.broadcast %mul3A_351 : f32 to vector<16xf32>
        %mul3A_353 = arith.mulf %get3A_350, %mul3A_352 : vector<16xf32>
        %swap3A_354 = arith.index_cast %add3A_346 : i32 to index
        %swap3A_355 = arith.constant 48 : index
        %swap3A_356 = tpu.vector_load %arg9[%swap3A_354, %swap3A_355] {strides = array<i32>} : memref<128x128xf32, #tpu.memory_space<vmem>>, vector<1x16xf32>,
        %swap3A_357 = vector.shape_cast %swap3A_356 : vector<1x16xf32> to vector<16xf32>
        %swap3A_358 = vector.shape_cast %mul3A_353 : vector<16xf32> to vector<1x16xf32>
        tpu.vector_store %arg9[%swap3A_354, %swap3A_355], %swap3A_358 {strides = array<i32>} : memref<128x128xf32, #tpu.memory_space<vmem>>, vector<1x16xf32>,
        %mul3A_359 = arith.constant 2 : i32
        %mul3A_360 = arith.muli %scan3A_168, %mul3A_359 : i32
        %add3A_361 = arith.constant 1 : i32
        %add3A_362 = arith.addi %mul3A_360, %add3A_361 : i32
        %get3A_363 = arith.index_cast %add3A_362 : i32 to index
        %get3A_364 = arith.constant 64 : index
        %get3A_365 = tpu.vector_load %arg9[%get3A_363, %get3A_364] {strides = array<i32>} : memref<128x128xf32, #tpu.memory_space<vmem>>, vector<1x16xf32>,
        %get3A_366 = vector.shape_cast %get3A_365 : vector<1x16xf32> to vector<16xf32>
        %mul3A_367 = arith.constant 11.3137083 : f32
        %mul3A_368 = vector.broadcast %mul3A_367 : f32 to vector<16xf32>
        %mul3A_369 = arith.mulf %get3A_366, %mul3A_368 : vector<16xf32>
        %swap3A_370 = arith.index_cast %add3A_362 : i32 to index
        %swap3A_371 = arith.constant 64 : index
        %swap3A_372 = tpu.vector_load %arg9[%swap3A_370, %swap3A_371] {strides = array<i32>} : memref<128x128xf32, #tpu.memory_space<vmem>>, vector<1x16xf32>,
        %swap3A_373 = vector.shape_cast %swap3A_372 : vector<1x16xf32> to vector<16xf32>
        %swap3A_374 = vector.shape_cast %mul3A_369 : vector<16xf32> to vector<1x16xf32>
        tpu.vector_store %arg9[%swap3A_370, %swap3A_371], %swap3A_374 {strides = array<i32>} : memref<128x128xf32, #tpu.memory_space<vmem>>, vector<1x16xf32>,
        %mul3A_375 = arith.constant 2 : i32
        %mul3A_376 = arith.muli %scan3A_168, %mul3A_375 : i32
        %add3A_377 = arith.constant 1 : i32
        %add3A_378 = arith.addi %mul3A_376, %add3A_377 : i32
        %get3A_379 = arith.index_cast %add3A_378 : i32 to index
        %get3A_380 = arith.constant 80 : index
        %get3A_381 = tpu.vector_load %arg9[%get3A_379, %get3A_380] {strides = array<i32>} : memref<128x128xf32, #tpu.memory_space<vmem>>, vector<1x16xf32>,
        %get3A_382 = vector.shape_cast %get3A_381 : vector<1x16xf32> to vector<16xf32>
        %mul3A_383 = arith.constant 11.3137083 : f32
        %mul3A_384 = vector.broadcast %mul3A_383 : f32 to vector<16xf32>
        %mul3A_385 = arith.mulf %get3A_382, %mul3A_384 : vector<16xf32>
        %swap3A_386 = arith.index_cast %add3A_378 : i32 to index
        %swap3A_387 = arith.constant 80 : index
        %swap3A_388 = tpu.vector_load %arg9[%swap3A_386, %swap3A_387] {strides = array<i32>} : memref<128x128xf32, #tpu.memory_space<vmem>>, vector<1x16xf32>,
        %swap3A_389 = vector.shape_cast %swap3A_388 : vector<1x16xf32> to vector<16xf32>
        %swap3A_390 = vector.shape_cast %mul3A_385 : vector<16xf32> to vector<1x16xf32>
        tpu.vector_store %arg9[%swap3A_386, %swap3A_387], %swap3A_390 {strides = array<i32>} : memref<128x128xf32, #tpu.memory_space<vmem>>, vector<1x16xf32>,
        %mul3A_391 = arith.constant 2 : i32
        %mul3A_392 = arith.muli %scan3A_168, %mul3A_391 : i32
        %add3A_393 = arith.constant 1 : i32
        %add3A_394 = arith.addi %mul3A_392, %add3A_393 : i32
        %get3A_395 = arith.index_cast %add3A_394 : i32 to index
        %get3A_396 = arith.constant 96 : index
        %get3A_397 = tpu.vector_load %arg9[%get3A_395, %get3A_396] {strides = array<i32>} : memref<128x128xf32, #tpu.memory_space<vmem>>, vector<1x16xf32>,
        %get3A_398 = vector.shape_cast %get3A_397 : vector<1x16xf32> to vector<16xf32>
        %mul3A_399 = arith.constant 11.3137083 : f32
        %mul3A_400 = vector.broadcast %mul3A_399 : f32 to vector<16xf32>
        %mul3A_401 = arith.mulf %get3A_398, %mul3A_400 : vector<16xf32>
        %swap3A_402 = arith.index_cast %add3A_394 : i32 to index
        %swap3A_403 = arith.constant 96 : index
        %swap3A_404 = tpu.vector_load %arg9[%swap3A_402, %swap3A_403] {strides = array<i32>} : memref<128x128xf32, #tpu.memory_space<vmem>>, vector<1x16xf32>,
        %swap3A_405 = vector.shape_cast %swap3A_404 : vector<1x16xf32> to vector<16xf32>
        %swap3A_406 = vector.shape_cast %mul3A_401 : vector<16xf32> to vector<1x16xf32>
        tpu.vector_store %arg9[%swap3A_402, %swap3A_403], %swap3A_406 {strides = array<i32>} : memref<128x128xf32, #tpu.memory_space<vmem>>, vector<1x16xf32>,
        %mul3A_407 = arith.constant 2 : i32
        %mul3A_408 = arith.muli %scan3A_168, %mul3A_407 : i32
        %add3A_409 = arith.constant 1 : i32
        %add3A_410 = arith.addi %mul3A_408, %add3A_409 : i32
        %get3A_411 = arith.index_cast %add3A_410 : i32 to index
        %get3A_412 = arith.constant 112 : index
        %get3A_413 = tpu.vector_load %arg9[%get3A_411, %get3A_412] {strides = array<i32>} : memref<128x128xf32, #tpu.memory_space<vmem>>, vector<1x16xf32>,
        %get3A_414 = vector.shape_cast %get3A_413 : vector<1x16xf32> to vector<16xf32>
        %mul3A_415 = arith.constant 11.3137083 : f32
        %mul3A_416 = vector.broadcast %mul3A_415 : f32 to vector<16xf32>
        %mul3A_417 = arith.mulf %get3A_414, %mul3A_416 : vector<16xf32>
        %swap3A_418 = arith.index_cast %add3A_410 : i32 to index
        %swap3A_419 = arith.constant 112 : index
        %swap3A_420 = tpu.vector_load %arg9[%swap3A_418, %swap3A_419] {strides = array<i32>} : memref<128x128xf32, #tpu.memory_space<vmem>>, vector<1x16xf32>,
        %swap3A_421 = vector.shape_cast %swap3A_420 : vector<1x16xf32> to vector<16xf32>
        %swap3A_422 = vector.shape_cast %mul3A_417 : vector<16xf32> to vector<1x16xf32>
        tpu.vector_store %arg9[%swap3A_418, %swap3A_419], %swap3A_422 {strides = array<i32>} : memref<128x128xf32, #tpu.memory_space<vmem>>, vector<1x16xf32>,
      }
      %scan3A_160 = arith.constant 64 : i32
      %mul3A_161 = arith.constant 128 : i32
      %mul3A_162 = arith.muli %add3A_138, %mul3A_161 : i32
      %add3A_163 = arith.addi %mul3A_2, %mul3A_162 : i32
      %dma_start3A_164 = arith.constant 0 : i32
      %dma_start3A_165 = tpu.memref_slice %arg4[%add3A_163, %dma_start3A_164] : memref<819200x128xf32, #tpu.memory_space<hbm>> -> memref<128x128xf32, #tpu.memory_space<hbm>>
      %dma_start3A_166 = arith.constant 0 : i32
      %dma_start3A_167 = tpu.memref_slice %arg4[%add3A_163, %dma_start3A_166] : memref<819200x128xf32, #tpu.memory_space<hbm>> -> memref<128x128xf32, #tpu.memory_space<hbm>>
      tpu.enqueue_dma source(%arg9 : memref<128x128xf32, #tpu.memory_space<vmem>>) target(%dma_start3A_167 : memref<128x128xf32, #tpu.memory_space<hbm>>) target_semaphore(%arg17 : memref<!tpu.dma_semaphore, #tpu.memory_space<semaphore_mem>>)
    }
    %scan3A_29 = arith.constant 50 : i32
    %dma_wait3A = arith.constant 0 : i32
    %dma_wait3A_30 = tpu.memref_slice %arg4[%mul3A_2, %dma_wait3A] : memref<819200x128xf32, #tpu.memory_space<hbm>> -> memref<128x128xf32, #tpu.memory_space<hbm>>
    %dma_wait3A_31 = arith.constant 0 : i32
    %dma_wait3A_32 = tpu.memref_slice %arg4[%mul3A_2, %dma_wait3A_31] : memref<819200x128xf32, #tpu.memory_space<hbm>> -> memref<128x128xf32, #tpu.memory_space<hbm>>
    tpu.wait_dma2 semaphore(%arg14 : memref<!tpu.dma_semaphore, #tpu.memory_space<semaphore_mem>>) src(%arg6 : memref<128x128xf32, #tpu.memory_space<vmem>>) dst(%dma_wait3A_32 : memref<128x128xf32, #tpu.memory_space<hbm>>)
    %dma_wait3A_33 = arith.constant 0 : i32
    %dma_wait3A_34 = tpu.memref_slice %arg4[%mul3A_2, %dma_wait3A_33] : memref<819200x128xf32, #tpu.memory_space<hbm>> -> memref<128x128xf32, #tpu.memory_space<hbm>>
    %dma_wait3A_35 = arith.constant 0 : i32
    %dma_wait3A_36 = tpu.memref_slice %arg4[%mul3A_2, %dma_wait3A_35] : memref<819200x128xf32, #tpu.memory_space<hbm>> -> memref<128x128xf32, #tpu.memory_space<hbm>>
    tpu.wait_dma2 semaphore(%arg15 : memref<!tpu.dma_semaphore, #tpu.memory_space<semaphore_mem>>) src(%arg7 : memref<128x128xf32, #tpu.memory_space<vmem>>) dst(%dma_wait3A_36 : memref<128x128xf32, #tpu.memory_space<hbm>>)
    %dma_wait3A_37 = arith.constant 0 : i32
    %dma_wait3A_38 = tpu.memref_slice %arg4[%mul3A_2, %dma_wait3A_37] : memref<819200x128xf32, #tpu.memory_space<hbm>> -> memref<128x128xf32, #tpu.memory_space<hbm>>
    %dma_wait3A_39 = arith.constant 0 : i32
    %dma_wait3A_40 = tpu.memref_slice %arg4[%mul3A_2, %dma_wait3A_39] : memref<819200x128xf32, #tpu.memory_space<hbm>> -> memref<128x128xf32, #tpu.memory_space<hbm>>
    tpu.wait_dma2 semaphore(%arg16 : memref<!tpu.dma_semaphore, #tpu.memory_space<semaphore_mem>>) src(%arg8 : memref<128x128xf32, #tpu.memory_space<vmem>>) dst(%dma_wait3A_40 : memref<128x128xf32, #tpu.memory_space<hbm>>)
    %dma_wait3A_41 = arith.constant 0 : i32
    %dma_wait3A_42 = tpu.memref_slice %arg4[%mul3A_2, %dma_wait3A_41] : memref<819200x128xf32, #tpu.memory_space<hbm>> -> memref<128x128xf32, #tpu.memory_space<hbm>>
    %dma_wait3A_43 = arith.constant 0 : i32
    %dma_wait3A_44 = tpu.memref_slice %arg4[%mul3A_2, %dma_wait3A_43] : memref<819200x128xf32, #tpu.memory_space<hbm>> -> memref<128x128xf32, #tpu.memory_space<hbm>>
    tpu.wait_dma2 semaphore(%arg17 : memref<!tpu.dma_semaphore, #tpu.memory_space<semaphore_mem>>) src(%arg9 : memref<128x128xf32, #tpu.memory_space<vmem>>) dst(%dma_wait3A_44 : memref<128x128xf32, #tpu.memory_space<hbm>>)
    return
  }
}

</mosaic_0001>

<sc_bundles>
// kernel: kernel.3.cloned.1.call-start
scs
__scs_entry_jumppad:
0x0: {  	(pc) =	sbr.rel $0x88, $3  }
0x1: {  	(tag) =	ssettag $0x0;
	lr =	simm.s32 $0x1  }
0x2: {  	[smem:$0x3F9F] =	sst lr;
	_ =	strace $0xD0000000  }
0x3: {  	_ = 	snop  }
0x4: {  	_ = 	snop  }
0x5: {  	_ = 	snop  }
0x6: {  	_ = 	snop  }
0x7: {  	_ = 	snop  }
__scs_overlays_trampoline_lowered:
0x8: {  	[smem:$0x3FAE] =	sst s0  }
0x9: {  	[smem:$0x3FAF] =	sst s1  }
0xa: {  	[smem:$0x3FB0] =	sst s2  }
0xb: {  	[smem:$0x3FB1] =	sst s3  }
0xc: {  	[smem:$0x3FB2] =	sst s4  }
0xd: {  	[smem:$0x3FB3] =	sst s5  }
0xe: {  	[smem:$0x3FB4] =	sst s6  }
0xf: {  	[smem:$0x3FB5] =	sst s7  }
0x10: {  	[smem:$0x3FB6] =	sst s8  }
0x11: {  	[smem:$0x3FB7] =	sst s9;
	s0 =	simm.s32 @!p0 $0x0  }
0x12: {  	s1 =	sld [smem:$0x3F9D];
	s0 =	simm.s32 @p0 $0x1  }
0x13: {  	[smem:$0x3FB8] =	sst s0;
	s0 =	simm.s32 @!p1 $0x0  }
0x14: {  	s2 =	sld [smem:$0x3F9C];
	s0 =	simm.s32 @p1 $0x1  }
0x15: {  	[smem:$0x3FB9] =	sst s0;
	s0 =	simm.s32 @!p2 $0x0  }
0x16: {  	s3 =	sld [smem:$0x3FDB];
	s0 =	simm.s32 @p2 $0x1  }
0x17: {  	s4 =	simm.s32 $0x1BF5;
	[smem:$0x3FBB] =	sst s0  }
0x18: {  	s0 =	sld [smem:$0x3F9E];
	_ =	swait.ge [sflag:s4], $0x0  }
0x19: {  	s7 =	sld [smem:$0x3F9F]  }
0x1a: {  	s8 =	sadd.s32 $0xFFFFE003, lr  }
0x1b: {  	s9 =	sadd.s32 $0xFFFFFEF7, lr;
	s5 =	simm.s32 $0xFFFFFFFF;
	p2 =	slt.u32 s8, $0xFFFFF086  }
0x1c: {  	p1 =	slt.u32 s9, $0xF7A;
	s5 =	simm.s32 @!p2 $0x0  }
0x1d: {  	s5 =	simm.s32 @p1 $0x1;
	p0 =	seq.s32 s7, s2  }
0x1e: {  	s7 =	smul.u32 @!p0 $0xF7A, s2;
	p2 =	seq.s32 @!p0 s5, $0x0  }
0x1f: {  	s9 =	smul.u32 $0xF7A, s1;
	s8 =	simm.s32 @!p0 $0x1BF5;
	p2 =	por !p2, p0  }
0x20: {  	[sflag:s8] =	ssyncset.s32 @!p0 $0xFFFFF086;
	s6 =	sadd.s32 @!p0 s3, s7;
	s7 =	simm.s32 @!p0 $0x108  }
0x21: {  	s3 =	sadd.s32 s3, s9;
	s6 =	sadd.s32 @!p0 $0x88, s6;
	s7 =	simm.s32 @p2 $0x1082  }
0x22: {  	[simem:s7], [sflag:s8] =	dma.local @!p0 [hbm:s6], $0xF7A  }
0x23: {  	s9 =	sor.u32 $0xD0000000, s2;
	s6 =	simm.s32 $0x108;
	_ =	swait.ge @!p0 [sflag:s8], $0x0  }
0x24: {  	s3 =	sadd.s32 $0x88, s3;
	s6 =	simm.s32 @!p1 $0x1082;
	[sflag:s4] =	ssyncset.s32 $0xFFFFF086  }
0x25: {  	[simem:s6], [sflag:s4] =	dma.local [hbm:s3], $0xF7A  }
0x26: {  	[smem:$0x3F9F] =	sst s1;
	(tag) =	ssettag s2;
	_ =	strace s9  }
0x27: {  	s1 =	sld [smem:$0x3FAF]  }
0x28: {  	s2 =	sld [smem:$0x3FB0]  }
0x29: {  	s4 =	sld [smem:$0x3FB2]  }
0x2a: {  	p0 =	seq.s32 s5, $0x0;
	s5 =	sld [smem:$0x3FB3]  }
0x2b: {  	s6 =	sld [smem:$0x3FB4]  }
0x2c: {  	s7 =	sld [smem:$0x3FB5]  }
0x2d: {  	s3 =	simm.s32 $0x108;
	s8 =	sld [smem:$0x3FB6]  }
0x2e: {  	s3 =	simm.s32 @!p0 $0x1082;
	s9 =	sld [smem:$0x3FB7]  }
0x2f: {  	lr =	sadd.s32 s0, s3;
	s0 =	sld [smem:$0x3FAE]  }
0x30: {  	s3 =	sld [smem:$0x3FB1]  }
0x31: {  	[smem:$0x3FBA] =	sst s10  }
0x32: {  	s10 =	sld [smem:$0x3FB8];
	_ =	sdelay $0x3  }
0x33: {  	p0 =	seq.s32 s10, $0x1;
	s10 =	sld [smem:$0x3FBA];
	_ =	sdelay $0x3  }
0x34: {  	[smem:$0x3FBA] =	sst s10  }
0x35: {  	s10 =	sld [smem:$0x3FB9];
	_ =	sdelay $0x3  }
0x36: {  	p1 =	seq.s32 s10, $0x1;
	s10 =	sld [smem:$0x3FBA];
	_ =	sdelay $0x3  }
0x37: {  	[smem:$0x3FBA] =	sst s10  }
0x38: {  	s10 =	sld [smem:$0x3FBB]  }
0x39: {  	_ = 	snop;
	(pc) =	sbr.ind lr, $3  }
0x3a: {  	_ = 	snop  }
0x3b: {  	_ = 	snop  }
0x3c: {  	p2 =	seq.s32 s10, $0x1;
	s10 =	sld [smem:$0x3FBA]  }
0x3d: {  	_ =	shalt  }
0x3e: {  	_ =	shalt  }
0x3f: {  	_ =	shalt  }
0x40: {  	_ =	shalt  }
0x41: {  	_ =	shalt  }
0x42: {  	_ =	shalt  }
0x43: {  	_ =	shalt  }
0x44: {  	_ =	shalt  }
0x45: {  	_ =	shalt  }
0x46: {  	_ =	shalt  }
0x47: {  	_ =	shalt  }
0x48: {  	_ =	shalt  }
0x49: {  	_ =	shalt  }
0x4a: {  	_ =	shalt  }
0x4b: {  	_ =	shalt  }
0x4c: {  	_ =	shalt  }
0x4d: {  	_ =	shalt  }
0x4e: {  	_ =	shalt  }
0x4f: {  	_ =	shalt  }
0x50: {  	_ =	shalt  }
0x51: {  	_ =	shalt  }
0x52: {  	_ =	shalt  }
0x53: {  	_ =	shalt  }
0x54: {  	_ =	shalt  }
0x55: {  	_ =	shalt  }
0x56: {  	_ =	shalt  }
0x57: {  	_ =	shalt  }
0x58: {  	_ =	shalt  }
0x59: {  	_ =	shalt  }
0x5a: {  	_ =	shalt  }
0x5b: {  	_ =	shalt  }
0x5c: {  	_ =	shalt  }
0x5d: {  	_ =	shalt  }
0x5e: {  	_ =	shalt  }
0x5f: {  	_ =	shalt  }
0x60: {  	_ =	shalt  }
0x61: {  	_ =	shalt  }
0x62: {  	_ =	shalt  }
0x63: {  	_ =	shalt  }
0x64: {  	_ =	shalt  }
0x65: {  	_ =	shalt  }
0x66: {  	_ =	shalt  }
0x67: {  	_ =	shalt  }
0x68: {  	_ =	shalt  }
0x69: {  	_ =	shalt  }
0x6a: {  	_ =	shalt  }
0x6b: {  	_ =	shalt  }
0x6c: {  	_ =	shalt  }
0x6d: {  	_ =	shalt  }
0x6e: {  	_ =	shalt  }
0x6f: {  	_ =	shalt  }
0x70: {  	_ =	shalt  }
0x71: {  	_ =	shalt  }
0x72: {  	_ =	shalt  }
0x73: {  	_ =	shalt  }
0x74: {  	_ =	shalt  }
0x75: {  	_ =	shalt  }
0x76: {  	_ =	shalt  }
0x77: {  	_ =	shalt  }
0x78: {  	_ =	shalt  }
0x79: {  	_ =	shalt  }
0x7a: {  	_ =	shalt  }
0x7b: {  	_ =	shalt  }
0x7c: {  	_ =	shalt  }
0x7d: {  	_ =	shalt  }
0x7e: {  	_ =	shalt  }
0x7f: {  	_ =	shalt  }
0x80: {  	_ =	shalt  }
0x81: {  	_ =	shalt  }
0x82: {  	_ =	shalt  }
0x83: {  	_ =	shalt  }
0x84: {  	_ =	shalt  }
0x85: {  	_ =	shalt  }
0x86: {  	_ =	shalt  }
0x87: {  	_ =	shalt  }
.Lfunc_end0:
.L_simem_size_0:
called_computation_lowered:
.L_overlay_start_0:
0x88: {  	s2 =	sld [smem:$0x3FD9]  }
0x89: {  	s3 =	sld [smem:$0x3FFE];
	_ =	sdelay $0x1  }
0x8a: {  	s1 =	srdreg.scid  }
0x8b: {  	s0 =	sand.u32 $0x1, s1  }
0x8c: {  	s17 =	sshll.u32 s0, $0xA;
	s2 =	sadd.s32 s3, s2  }
0x8d: {  	s2 =	sadd.s32 s2, s17  }
0x8e: {  	[smem:$0x3FC6] =	sst s2  }
0x8f: {  	_ = 	snop  }
0x90: {  	s2 =	sld [smem:$0x3FC8]  }
0x91: {  	s18 =	sld [smem:$0x3FD0];
	(tm) =	ssettm $0x1  }
0x92: {  	s4 =	sld [smem:$0x3FFB];
	_ =	sdelay $0x3  }
0x93: {  	_ =	strace s4  }
0x94: {  	s4 =	sld [smem:$0x3FFC];
	_ =	sdelay $0x3  }
0x95: {  	_ =	strace s4  }
0x96: {  	s4 =	sld [smem:$0x3FFD];
	_ =	sdelay $0x3  }
0x97: {  	_ =	strace s4  }
0x98: {  	_ =	strace $0x8FFFFFFF  }
0x99: {  	s19 =	sld [smem:$0x3FDB];
	_ =	sdelay $0x1  }
0x9a: {  	s5 =	simm.s32 $_scs_section_size  }
0x9b: {  	s6 =	simm.s32 $_size__tile_overlayer_lowered;
	s7 =	simm.s32 $_tile_overlayer_lowered  }
0x9c: {  	s22 =	simm.s32 $0x1BFF;
	s21 =	sshll.u32 s7, $0x1;
	s4 =	sadd.s32 s5, s19  }
0x9d: {  	s8 =	simm.s32 $0x0;
	s20 =	sshll.u32 s6, $0x1;
	s6 =	sadd.s32 s21, s4  }
0x9e: {  	[timem:s8], [sflag:s22] =	dma.local [hbm:s6], s20  }
0x9f: {  	_ =	swait.ge [sflag:s22], s20  }
0xa0: {  	s5 =	ssub.s32 $0x0, s20;
	[sflag:s22] =	ssyncset.done $0x0  }
0xa1: {  	[sflag:s22] =	ssyncadd.s32 s5;
	_ =	sdelay $0x1  }
0xa2: {  	s23 =	simm.s32 $0x1B8B  }
0xa3: {  	_ =	swait.ge [sflag:s23], $0x1  }
0xa4: {  	[sflag:s23] =	ssyncset.done $0x0  }
0xa5: {  	s25 =	simm.s32 $0x1B8E;
	s24 =	sld [smem:$0x3FFE];
	[sflag:s23] =	ssyncadd.s32 $0xFFFFFFFF  }
0xa6: {  	s26 =	simm.s32 $execute0_lowered;
	[smem:$0x3FD2] =	sst s25  }
0xa7: {  	s6 =	sshll.u32 s26, $0x1;
	_ =	strace $0x80000046;
	[dreg:$0x1] =	wrdreg $0xFFFFFFFF  }
0xa8: {  	s28 =	simm.s32 $_size_execute0_lowered;
	s4 =	sadd.s32 s4, s6;
	[dreg:$0x0] =	wrdreg $0x0  }
0xa9: {  	s6 =	sshll.u32 s28, $0x1;
	[dreg:$0x2] =	wrdreg s4  }
0xaa: {  	[dreg:$0x3] =	wrdreg s6  }
0xab: {  	[dreg:$0x4] =	wrdreg $0xC0  }
0xac: {  	_ =	task [dreg:s8], $0x5FFFF  }
0xad: {  	[dreg:$0x1] =	wrdreg $0xFFFFFFFF  }
0xae: {  	[dreg:$0x0] =	wrdreg $0x60  }
0xaf: {  	[dreg:$0x2] =	wrdreg s24  }
0xb0: {  	[dreg:$0x3] =	wrdreg s2  }
0xb1: {  	[dreg:$0x4] =	wrdreg s18  }
0xb2: {  	[dreg:$0x5] =	wrdreg $0x9  }
0xb3: {  	_ =	task.clear_ibuf [dreg:s8], $0x6FFFF;
	_ =	strace $0x90000046  }
0xb4: {  	s29 =	simm.s32 $0x9;
	_ =	strace $0x80000048  }
0xb5: {  	_ =	swait.ge [sflag:s29], $0x1  }
0xb6: {  	[sflag:s29] =	ssyncadd.s32 $0xFFFFFFFF  }
0xb7: {  	_ =	strace $0x90000048  }
0xb8: {  	_ =	sfence  }
0xb9: {  	s30 =	sld [smem:$0x0];
	_ =	sdelay $0x2  }
0xba: {  	s31 =	sshll.u32 s1, $0xD;
	s1 =	sshrl.u32 s1, $0x2  }
0xbb: {  	s3 =	sand.u32 $0x4000, s31;
	s1 =	sadd.s32 s1, s30  }
0xbc: {  	s0 =	sor.u32 s3, s0;
	s1 =	sshll.u32 s1, $0x11  }
0xbd: {  	s0 =	sor.u32 s1, s0  }
0xbe: {  	s0 =	sadd.s32 $0x8F2B, s0  }
0xbf: {  	[sflag:s0] =	ssyncadd.remote.s32 $0x1  }
0xc0: {  	_ =	sfence.sel $0xFFFF  }
0xc1: {  	[dreg:$0x0] =	wrdreg $0xFFFFFFFF;
	(pc) =	sbr.abs _section_cstart, $3  }
0xc2: {  	[dreg:$0x1] =	wrdreg $0xFFFFFFFF  }
0xc3: {  	_ =	task.clear_ibuf [dreg:s8], $0x2FFFF;
	_ =	strace $0x9FFFFFFF  }
0xc4: {  	(tm) =	ssettm $0x7FFFFFFF  }
0xc5: {  	_ =	shalt  }
tec
execute0_lowered:
.L_overlay_start_1:
0x0: {  	(tag) =	ssettag $0x1  }
0x1: {  	s1 =	rddreg [dreg:$0x0]  }
0x2: {  	s2 =	rddreg [dreg:$0x1];
	s4 =	srdreg.scid  }
0x3: {  	s0 =	stileid.u32;
	s3 =	rddreg [dreg:$0x2]  }
0x4: {  	s11 =	simm.s32 $0x80;
	s12 =	simm.s32 $0x6400;
	s13 =	simm.s32 $0xA400  }
0x5: {  	s14 =	simm.s32 $0x100;
	s15 =	simm.s32 $0xE400;
	s16 =	simm.s32 $0x1  }
0x6: {  	s17 =	simm.s32 $0x12400;
	s18 =	simm.s32 $0x2;
	s19 =	simm.s32 $0x3  }
0x7: {  	s20 =	simm.s32 $0x4;
	s21 =	simm.s32 $0x5;
	s22 =	simm.s32 $0x6  }
0x8: {  	s23 =	simm.s32 $0x7;
	s5 =	sand.u32 $0x1, s4;
	s31 =	sshll.u32 s0, $0x1  }
0x9: {  	s24 =	simm.s32 $0x8;
	s25 =	simm.s32 $0x0;
	s6 =	sor.u32 s5, s31  }
0xa: {  	s4 =	simm.s32 $0x0;
	s5 =	ssub.s32 $0x2, s5;
	s7 =	smul.u32 $0xC80, s6  }
0xb: {  	[smem:$0x7FF] =	sst s4;
	s8 =	sshrl.u32 s5, $0x1;
	s9 =	smul.u32 $0x6400, s6  }
0xc: {  	_ =	strace $0x80000047;
	s6 =	smul.u32 $0x320000, s6;
	s10 =	ssub.s32 s5, s8  }
0xd: {  	s1 =	sadd.s32 s7, s1;
	s7 =	sor.u32 $0x80, s9;
	s8 =	sor.u32 $0x100, s9  }
0xe: {  	s9 =	smax.u32 s10, $0x1;
	s10 =	simm.s32 $0x9;
	s5 =	sadd.s32 $0x400, s1  }
.LBB2_1:
0xf: {  	[tilespmem:s4], [sflag:$0x9] =	stream.linear.gather [hbm4b:s5+s4], $0x6400, $0x38;
	[tilespmem:$0x16400] =	vst v63  }
0x10: {  	_ =	swait.ge [sflag:s10], $0x6400  }
0x11: {  	[sflag:s10] =	ssyncset.done $0x0  }
0x12: {  	[sflag:s10] =	ssyncadd.s32 $0xFFFF9C00  }
0x13: {  	[tilespmem:s12], [sflag:$0x1] =	stream.indirect.gather [hbm4b:s2+s11], $0x80, s4, s11, $0xb8;
	[tilespmem:$0x16400] =	vst v63  }
0x14: {  	_ = 	snop  }
0x15: {  	[tilespmem:s13], [sflag:$0x2] =	stream.indirect.gather [hbm4b:s2+s11], $0x80, s11, s11, $0xb8;
	[tilespmem:$0x16400] =	vst v63  }
0x16: {  	s26 =	simm.s32 $0x0  }
0x17: {  	[tilespmem:s15], [sflag:$0x3] =	stream.indirect.gather [hbm4b:s2+s11], $0x80, s14, s11, $0xb8;
	[tilespmem:$0x16400] =	vst v63  }
.LBB2_2:
0x18: {  	_ =	swait.ge [sflag:s16], $0x4000  }
0x19: {  	p0 =	seq.s32 s26, $0x0;
	[sflag:s16] =	ssyncset.done $0x0  }
0x1a: {  	s1 =	simm.s32 @!p0 $0x8;
	[sflag:s16] =	ssyncadd.s32 $0xFFFFC000  }
0x1b: {  	s28 =	sshllo.u32 s26, $0x2;
	_ =	swait.ge @!p0 [sflag:s1], $0x4000  }
0x1c: {  	s29 =	sshll.u32 s28, $0x7;
	[sflag:s1] =	ssyncset.done @!p0 $0x0  }
0x1d: {  	s31 =	sand.u32 $0x3FFFFF80, s29;
	s29 =	simm.s32 $0x0;
	[sflag:s1] =	ssyncadd.s32 @!p0 $0xFFFFC000  }
0x1e: {  	[tilespmem:s17], [sflag:$0x4] =	stream.indirect.gather [hbm4b:s2+s11], $0x80, s31, s11, $0xb8;
	[tilespmem:$0x16400] =	vst v63  }
0x1f: {  	v0 =	vld [tilespmem:s29+$0x6400]  }
0x20: {  	v1 =	vld [tilespmem:s29+$0x6410]  }
0x21: {  	v2 =	vld [tilespmem:s29+$0x6420]  }
0x22: {  	v3 =	vld [tilespmem:s29+$0x6430]  }
0x23: {  	v4 =	vld [tilespmem:s29+$0x6440]  }
0x24: {  	v5 =	vld [tilespmem:s29+$0x6450];
	v0 =	vmul.f32 $1.131370830e+01, v0  }
0x25: {  	v6 =	vld [tilespmem:s29+$0x6460];
	v1 =	vmul.f32 $1.131370830e+01, v1  }
0x26: {  	v7 =	vld [tilespmem:s29+$0x6470];
	[tilespmem:s29+$0x6400] =	vst v0;
	v0 =	vmul.f32 $1.131370830e+01, v2  }
0x27: {  	v8 =	vld [tilespmem:s29+$0x6480];
	[tilespmem:s29+$0x6410] =	vst v1;
	v1 =	vmul.f32 $1.131370830e+01, v3  }
0x28: {  	v9 =	vld [tilespmem:s29+$0x6490];
	[tilespmem:s29+$0x6420] =	vst v0;
	v0 =	vmul.f32 $1.131370830e+01, v4  }
0x29: {  	v2 =	vmul.f32 $1.131370830e+01, v5;
	[tilespmem:s29+$0x6430] =	vst v1;
	v1 =	vld [tilespmem:s29+$0x64A0]  }
0x2a: {  	v3 =	vmul.f32 $1.131370830e+01, v6;
	[tilespmem:s29+$0x6440] =	vst v0;
	v0 =	vld [tilespmem:s29+$0x64B0]  }
0x2b: {  	[tilespmem:s29+$0x6450] =	vst v2;
	v2 =	vld [tilespmem:s29+$0x64C0];
	v4 =	vmul.f32 $1.131370830e+01, v7  }
0x2c: {  	v6 =	vmul.f32 $1.131370830e+01, v8;
	[tilespmem:s29+$0x6460] =	vst v3;
	v3 =	vld [tilespmem:s29+$0x64D0]  }
0x2d: {  	s30 =	simm.s32 $0x400;
	v5 =	vmul.f32 $1.131370830e+01, v9;
	[tilespmem:s29+$0x6470] =	vst v4;
	v4 =	vld [tilespmem:s29+$0x64E0]  }
.LBB2_3:
0x2e: {  	s1 =	sshra.s32 s30, $0x2;
	p0 =	sne.s32 s30, $0xFC00;
	[tilespmem:s29+$0x6480] =	vst v6;
	v1 =	vmul.f32 $1.131370830e+01, v1;
	v6 =	vld [tilespmem:s29+$0x64F0]  }
0x2f: {  	v7 =	vld [tilespmem:s1+$0x6400];
	[tilespmem:s29+$0x6490] =	vst v5;
	v0 =	vmul.f32 $1.131370830e+01, v0  }
0x30: {  	v5 =	vld [tilespmem:s1+$0x6410];
	[tilespmem:s29+$0x64A0] =	vst v1;
	v1 =	vmul.f32 $1.131370830e+01, v2  }
0x31: {  	v2 =	vld [tilespmem:s1+$0x6420];
	[tilespmem:s29+$0x64B0] =	vst v0;
	v0 =	vmul.f32 $1.131370830e+01, v3  }
0x32: {  	v3 =	vld [tilespmem:s1+$0x6430];
	[tilespmem:s29+$0x64C0] =	vst v1;
	v1 =	vmul.f32 $1.131370830e+01, v4  }
0x33: {  	v4 =	vld [tilespmem:s1+$0x6440];
	[tilespmem:s29+$0x64D0] =	vst v0;
	v0 =	vmul.f32 $1.131370830e+01, v6  }
0x34: {  	v6 =	vmul.f32 $1.131370830e+01, v7;
	v7 =	vld [tilespmem:s1+$0x6450];
	[tilespmem:s29+$0x64E0] =	vst v1  }
0x35: {  	v1 =	vmul.f32 $1.131370830e+01, v5;
	v5 =	vld [tilespmem:s1+$0x6460];
	[tilespmem:s29+$0x64F0] =	vst v0;
	s29 =	smov.u32 s1  }
0x36: {  	[tilespmem:s29+$0x6400] =	vst v6;
	v0 =	vmul.f32 $1.131370830e+01, v2;
	v2 =	vld [tilespmem:s29+$0x6470]  }
0x37: {  	[tilespmem:s29+$0x6410] =	vst v1;
	v1 =	vmul.f32 $1.131370830e+01, v3;
	v3 =	vld [tilespmem:s29+$0x6480]  }
0x38: {  	[tilespmem:s29+$0x6420] =	vst v0;
	v0 =	vmul.f32 $1.131370830e+01, v4;
	v4 =	vld [tilespmem:s29+$0x6490]  }
.Ltmp0:
0x39: {  	[tilespmem:s29+$0x6430] =	vst v1;
	v6 =	vmul.f32 $1.131370830e+01, v7;
	v1 =	vld [tilespmem:s29+$0x64A0];
	(pc) =	sbr.rel @p0 .LBB2_3-.Ltmp0, $4  }
0x3a: {  	[tilespmem:s29+$0x6440] =	vst v0;
	v5 =	vmul.f32 $1.131370830e+01, v5;
	v0 =	vld [tilespmem:s29+$0x64B0]  }
0x3b: {  	[tilespmem:s29+$0x6450] =	vst v6;
	v7 =	vmul.f32 $1.131370830e+01, v2;
	v2 =	vld [tilespmem:s29+$0x64C0]  }
0x3c: {  	[tilespmem:s29+$0x6460] =	vst v5;
	v6 =	vmul.f32 $1.131370830e+01, v3;
	v3 =	vld [tilespmem:s29+$0x64D0]  }
0x3d: {  	s30 =	sadd.s32 $0x400, s30;
	[tilespmem:s29+$0x6470] =	vst v7;
	v5 =	vmul.f32 $1.131370830e+01, v4;
	v4 =	vld [tilespmem:s29+$0x64E0]  }
0x3e: {  	[tilespmem:s29+$0x6480] =	vst v6;
	v1 =	vmul.f32 $1.131370830e+01, v1;
	v6 =	vld [tilespmem:s29+$0x64F0]  }
0x3f: {  	[tilespmem:s29+$0x6490] =	vst v5;
	v0 =	vmul.f32 $1.131370830e+01, v0  }
0x40: {  	[tilespmem:s29+$0x64A0] =	vst v1;
	v1 =	vmul.f32 $1.131370830e+01, v2  }
0x41: {  	[tilespmem:s29+$0x64B0] =	vst v0;
	v0 =	vmul.f32 $1.131370830e+01, v3  }
0x42: {  	s1 =	sshll.u32 s26, $0x10;
	[tilespmem:s29+$0x64C0] =	vst v1;
	v1 =	vmul.f32 $1.131370830e+01, v4  }
0x43: {  	s1 =	sadd.s32 s6, s1;
	[tilespmem:s29+$0x64D0] =	vst v0;
	v0 =	vmul.f32 $1.131370830e+01, v6  }
0x44: {  	s1 =	sshrl.u32 s1, $0x3;
	[tilespmem:s29+$0x64E0] =	vst v1  }
0x45: {  	s1 =	sadd.s32 s3, s1;
	[tilespmem:s29+$0x64F0] =	vst v0  }
0x46: {  	[hbm4b:s1+s4] =	stream.linear.scatter [tilespmem:s12], [sflag:$0x5], $0x4000, $0x38;
	[tilespmem:$0x16400] =	vst v63  }
0x47: {  	_ =	swait.ge [sflag:s18], $0x4000  }
0x48: {  	p0 =	seq.s32 s26, $0x31;
	[sflag:s18] =	ssyncset.done $0x0  }
0x49: {  	s1 =	simm.s32 @!p0 $0x5;
	[sflag:s18] =	ssyncadd.s32 $0xFFFFC000  }
0x4a: {  	s29 =	sshll.u32 @!p0 s26, $0x9;
	_ =	swait.ge @!p0 [sflag:s1], $0x4000  }
0x4b: {  	s30 =	simm.s32 @!p0 $0x80;
	s29 =	sand.u32 @!p0 $0x3FFFFE00, s29;
	[sflag:s1] =	ssyncset.done @!p0 $0x0  }
0x4c: {  	s31 =	simm.s32 @!p0 $0x6400;
	[sflag:s1] =	ssyncadd.s32 @!p0 $0xFFFFC000;
	s1 =	sadd.s32 @!p0 $0x200, s29  }
0x4d: {  	[tilespmem:s31], [sflag:$0x1] =	stream.indirect.gather @!p0 [hbm4b:s2+s30], $0x80, s1, s30, $0xb8;
	[tilespmem:$0x16400] =	vst v63  }
0x4e: {  	s31 =	simm.s32 $0x0  }
0x4f: {  	v0 =	vld [tilespmem:s31+$0xA400]  }
0x50: {  	v1 =	vld [tilespmem:s31+$0xA410]  }
0x51: {  	v2 =	vld [tilespmem:s31+$0xA420]  }
0x52: {  	v3 =	vld [tilespmem:s31+$0xA430]  }
0x53: {  	v4 =	vld [tilespmem:s31+$0xA440]  }
0x54: {  	v5 =	vld [tilespmem:s31+$0xA450];
	v0 =	vmul.f32 $1.131370830e+01, v0  }
0x55: {  	v6 =	vld [tilespmem:s31+$0xA460];
	v1 =	vmul.f32 $1.131370830e+01, v1  }
0x56: {  	v7 =	vld [tilespmem:s31+$0xA470];
	[tilespmem:s31+$0xA400] =	vst v0;
	v0 =	vmul.f32 $1.131370830e+01, v2  }
0x57: {  	v8 =	vld [tilespmem:s31+$0xA480];
	[tilespmem:s31+$0xA410] =	vst v1;
	v1 =	vmul.f32 $1.131370830e+01, v3  }
0x58: {  	v9 =	vld [tilespmem:s31+$0xA490];
	[tilespmem:s31+$0xA420] =	vst v0;
	v0 =	vmul.f32 $1.131370830e+01, v4  }
0x59: {  	v2 =	vmul.f32 $1.131370830e+01, v5;
	[tilespmem:s31+$0xA430] =	vst v1;
	v1 =	vld [tilespmem:s31+$0xA4A0]  }
0x5a: {  	v3 =	vmul.f32 $1.131370830e+01, v6;
	[tilespmem:s31+$0xA440] =	vst v0;
	v0 =	vld [tilespmem:s31+$0xA4B0]  }
0x5b: {  	[tilespmem:s31+$0xA450] =	vst v2;
	v2 =	vld [tilespmem:s31+$0xA4C0];
	v4 =	vmul.f32 $1.131370830e+01, v7  }
0x5c: {  	v6 =	vmul.f32 $1.131370830e+01, v8;
	[tilespmem:s31+$0xA460] =	vst v3;
	v3 =	vld [tilespmem:s31+$0xA4D0]  }
0x5d: {  	s30 =	simm.s32 $0x400;
	v5 =	vmul.f32 $1.131370830e+01, v9;
	[tilespmem:s31+$0xA470] =	vst v4;
	v4 =	vld [tilespmem:s31+$0xA4E0]  }
.LBB2_5:
0x5e: {  	s1 =	sshra.s32 s30, $0x2;
	p1 =	sne.s32 s30, $0xFC00;
	[tilespmem:s31+$0xA480] =	vst v6;
	v1 =	vmul.f32 $1.131370830e+01, v1;
	v6 =	vld [tilespmem:s31+$0xA4F0]  }
0x5f: {  	v7 =	vld [tilespmem:s1+$0xA400];
	[tilespmem:s31+$0xA490] =	vst v5;
	v0 =	vmul.f32 $1.131370830e+01, v0  }
0x60: {  	v5 =	vld [tilespmem:s1+$0xA410];
	[tilespmem:s31+$0xA4A0] =	vst v1;
	v1 =	vmul.f32 $1.131370830e+01, v2  }
0x61: {  	v2 =	vld [tilespmem:s1+$0xA420];
	[tilespmem:s31+$0xA4B0] =	vst v0;
	v0 =	vmul.f32 $1.131370830e+01, v3  }
0x62: {  	v3 =	vld [tilespmem:s1+$0xA430];
	[tilespmem:s31+$0xA4C0] =	vst v1;
	v1 =	vmul.f32 $1.131370830e+01, v4  }
0x63: {  	v4 =	vld [tilespmem:s1+$0xA440];
	[tilespmem:s31+$0xA4D0] =	vst v0;
	v0 =	vmul.f32 $1.131370830e+01, v6  }
0x64: {  	v6 =	vmul.f32 $1.131370830e+01, v7;
	v7 =	vld [tilespmem:s1+$0xA450];
	[tilespmem:s31+$0xA4E0] =	vst v1  }
0x65: {  	v1 =	vmul.f32 $1.131370830e+01, v5;
	v5 =	vld [tilespmem:s1+$0xA460];
	[tilespmem:s31+$0xA4F0] =	vst v0;
	s31 =	smov.u32 s1  }
0x66: {  	[tilespmem:s31+$0xA400] =	vst v6;
	v0 =	vmul.f32 $1.131370830e+01, v2;
	v2 =	vld [tilespmem:s31+$0xA470]  }
0x67: {  	[tilespmem:s31+$0xA410] =	vst v1;
	v1 =	vmul.f32 $1.131370830e+01, v3;
	v3 =	vld [tilespmem:s31+$0xA480]  }
0x68: {  	[tilespmem:s31+$0xA420] =	vst v0;
	v0 =	vmul.f32 $1.131370830e+01, v4;
	v4 =	vld [tilespmem:s31+$0xA490]  }
.Ltmp1:
0x69: {  	[tilespmem:s31+$0xA430] =	vst v1;
	v6 =	vmul.f32 $1.131370830e+01, v7;
	v1 =	vld [tilespmem:s31+$0xA4A0];
	(pc) =	sbr.rel @p1 .LBB2_5-.Ltmp1, $4  }
0x6a: {  	[tilespmem:s31+$0xA440] =	vst v0;
	v5 =	vmul.f32 $1.131370830e+01, v5;
	v0 =	vld [tilespmem:s31+$0xA4B0]  }
0x6b: {  	[tilespmem:s31+$0xA450] =	vst v6;
	v7 =	vmul.f32 $1.131370830e+01, v2;
	v2 =	vld [tilespmem:s31+$0xA4C0]  }
0x6c: {  	[tilespmem:s31+$0xA460] =	vst v5;
	v6 =	vmul.f32 $1.131370830e+01, v3;
	v3 =	vld [tilespmem:s31+$0xA4D0]  }
0x6d: {  	s30 =	sadd.s32 $0x400, s30;
	[tilespmem:s31+$0xA470] =	vst v7;
	v5 =	vmul.f32 $1.131370830e+01, v4;
	v4 =	vld [tilespmem:s31+$0xA4E0]  }
0x6e: {  	[tilespmem:s31+$0xA480] =	vst v6;
	v1 =	vmul.f32 $1.131370830e+01, v1;
	v6 =	vld [tilespmem:s31+$0xA4F0]  }
0x6f: {  	[tilespmem:s31+$0xA490] =	vst v5;
	v0 =	vmul.f32 $1.131370830e+01, v0  }
0x70: {  	[tilespmem:s31+$0xA4A0] =	vst v1;
	v1 =	vmul.f32 $1.131370830e+01, v2  }
0x71: {  	[tilespmem:s31+$0xA4B0] =	vst v0;
	v0 =	vmul.f32 $1.131370830e+01, v3  }
0x72: {  	s30 =	sshll.u32 s26, $0x9;
	[tilespmem:s31+$0xA4C0] =	vst v1;
	v1 =	vmul.f32 $1.131370830e+01, v4  }
0x73: {  	s1 =	sadd.s32 s30, s7;
	[tilespmem:s31+$0xA4D0] =	vst v0;
	v0 =	vmul.f32 $1.131370830e+01, v6  }
0x74: {  	s1 =	sshll.u32 s1, $0x4;
	[tilespmem:s31+$0xA4E0] =	vst v1  }
0x75: {  	s1 =	sadd.s32 s3, s1;
	[tilespmem:s31+$0xA4F0] =	vst v0  }
0x76: {  	[hbm4b:s1+s4] =	stream.linear.scatter [tilespmem:s13], [sflag:$0x6], $0x4000, $0x38;
	[tilespmem:$0x16400] =	vst v63  }
0x77: {  	_ =	swait.ge [sflag:s19], $0x4000  }
0x78: {  	[sflag:s19] =	ssyncset.done $0x0  }
0x79: {  	s1 =	simm.s32 @!p0 $0x6;
	[sflag:s19] =	ssyncadd.s32 $0xFFFFC000  }
0x7a: {  	_ =	swait.ge @!p0 [sflag:s1], $0x4000  }
0x7b: {  	s0 =	simm.s32 @!p0 $0xA400;
	[sflag:s1] =	ssyncset.done @!p0 $0x0  }
0x7c: {  	s31 =	simm.s32 @!p0 $0x80;
	[sflag:s1] =	ssyncadd.s32 @!p0 $0xFFFFC000;
	s1 =	sadd.s32 @!p0 $0x280, s29  }
0x7d: {  	[tilespmem:s0], [sflag:$0x2] =	stream.indirect.gather @!p0 [hbm4b:s2+s31], $0x80, s1, s31, $0xb8;
	[tilespmem:$0x16400] =	vst v63  }
0x7e: {  	s31 =	simm.s32 $0x0  }
0x7f: {  	v0 =	vld [tilespmem:s31+$0xE400]  }
0x80: {  	v1 =	vld [tilespmem:s31+$0xE410]  }
0x81: {  	v2 =	vld [tilespmem:s31+$0xE420]  }
0x82: {  	v3 =	vld [tilespmem:s31+$0xE430]  }
0x83: {  	v4 =	vld [tilespmem:s31+$0xE440]  }
0x84: {  	v5 =	vld [tilespmem:s31+$0xE450];
	v0 =	vmul.f32 $1.131370830e+01, v0  }
0x85: {  	v6 =	vld [tilespmem:s31+$0xE460];
	v1 =	vmul.f32 $1.131370830e+01, v1  }
0x86: {  	v7 =	vld [tilespmem:s31+$0xE470];
	[tilespmem:s31+$0xE400] =	vst v0;
	v0 =	vmul.f32 $1.131370830e+01, v2  }
0x87: {  	v8 =	vld [tilespmem:s31+$0xE480];
	[tilespmem:s31+$0xE410] =	vst v1;
	v1 =	vmul.f32 $1.131370830e+01, v3  }
0x88: {  	v9 =	vld [tilespmem:s31+$0xE490];
	[tilespmem:s31+$0xE420] =	vst v0;
	v0 =	vmul.f32 $1.131370830e+01, v4  }
0x89: {  	v2 =	vmul.f32 $1.131370830e+01, v5;
	[tilespmem:s31+$0xE430] =	vst v1;
	v1 =	vld [tilespmem:s31+$0xE4A0]  }
0x8a: {  	v3 =	vmul.f32 $1.131370830e+01, v6;
	[tilespmem:s31+$0xE440] =	vst v0;
	v0 =	vld [tilespmem:s31+$0xE4B0]  }
0x8b: {  	[tilespmem:s31+$0xE450] =	vst v2;
	v2 =	vld [tilespmem:s31+$0xE4C0];
	v4 =	vmul.f32 $1.131370830e+01, v7  }
0x8c: {  	v6 =	vmul.f32 $1.131370830e+01, v8;
	[tilespmem:s31+$0xE460] =	vst v3;
	v3 =	vld [tilespmem:s31+$0xE4D0]  }
0x8d: {  	s1 =	simm.s32 $0x400;
	v5 =	vmul.f32 $1.131370830e+01, v9;
	[tilespmem:s31+$0xE470] =	vst v4;
	v4 =	vld [tilespmem:s31+$0xE4E0]  }
.LBB2_7:
0x8e: {  	s0 =	sshra.s32 s1, $0x2;
	p1 =	sne.s32 s1, $0xFC00;
	[tilespmem:s31+$0xE480] =	vst v6;
	v1 =	vmul.f32 $1.131370830e+01, v1;
	v6 =	vld [tilespmem:s31+$0xE4F0]  }
0x8f: {  	v7 =	vld [tilespmem:s0+$0xE400];
	[tilespmem:s31+$0xE490] =	vst v5;
	v0 =	vmul.f32 $1.131370830e+01, v0  }
0x90: {  	v5 =	vld [tilespmem:s0+$0xE410];
	[tilespmem:s31+$0xE4A0] =	vst v1;
	v1 =	vmul.f32 $1.131370830e+01, v2  }
0x91: {  	v2 =	vld [tilespmem:s0+$0xE420];
	[tilespmem:s31+$0xE4B0] =	vst v0;
	v0 =	vmul.f32 $1.131370830e+01, v3  }
0x92: {  	v3 =	vld [tilespmem:s0+$0xE430];
	[tilespmem:s31+$0xE4C0] =	vst v1;
	v1 =	vmul.f32 $1.131370830e+01, v4  }
0x93: {  	v4 =	vld [tilespmem:s0+$0xE440];
	[tilespmem:s31+$0xE4D0] =	vst v0;
	v0 =	vmul.f32 $1.131370830e+01, v6  }
0x94: {  	v6 =	vmul.f32 $1.131370830e+01, v7;
	v7 =	vld [tilespmem:s0+$0xE450];
	[tilespmem:s31+$0xE4E0] =	vst v1  }
0x95: {  	v1 =	vmul.f32 $1.131370830e+01, v5;
	v5 =	vld [tilespmem:s0+$0xE460];
	[tilespmem:s31+$0xE4F0] =	vst v0;
	s31 =	smov.u32 s0  }
0x96: {  	[tilespmem:s31+$0xE400] =	vst v6;
	v0 =	vmul.f32 $1.131370830e+01, v2;
	v2 =	vld [tilespmem:s31+$0xE470]  }
0x97: {  	[tilespmem:s31+$0xE410] =	vst v1;
	v1 =	vmul.f32 $1.131370830e+01, v3;
	v3 =	vld [tilespmem:s31+$0xE480]  }
0x98: {  	[tilespmem:s31+$0xE420] =	vst v0;
	v0 =	vmul.f32 $1.131370830e+01, v4;
	v4 =	vld [tilespmem:s31+$0xE490]  }
.Ltmp2:
0x99: {  	[tilespmem:s31+$0xE430] =	vst v1;
	v6 =	vmul.f32 $1.131370830e+01, v7;
	v1 =	vld [tilespmem:s31+$0xE4A0];
	(pc) =	sbr.rel @p1 .LBB2_7-.Ltmp2, $4  }
0x9a: {  	[tilespmem:s31+$0xE440] =	vst v0;
	v5 =	vmul.f32 $1.131370830e+01, v5;
	v0 =	vld [tilespmem:s31+$0xE4B0]  }
0x9b: {  	[tilespmem:s31+$0xE450] =	vst v6;
	v7 =	vmul.f32 $1.131370830e+01, v2;
	v2 =	vld [tilespmem:s31+$0xE4C0]  }
0x9c: {  	[tilespmem:s31+$0xE460] =	vst v5;
	v6 =	vmul.f32 $1.131370830e+01, v3;
	v3 =	vld [tilespmem:s31+$0xE4D0]  }
0x9d: {  	s1 =	sadd.s32 $0x400, s1;
	[tilespmem:s31+$0xE470] =	vst v7;
	v5 =	vmul.f32 $1.131370830e+01, v4;
	v4 =	vld [tilespmem:s31+$0xE4E0]  }
0x9e: {  	[tilespmem:s31+$0xE480] =	vst v6;
	v1 =	vmul.f32 $1.131370830e+01, v1;
	v6 =	vld [tilespmem:s31+$0xE4F0]  }
0x9f: {  	[tilespmem:s31+$0xE490] =	vst v5;
	v0 =	vmul.f32 $1.131370830e+01, v0  }
0xa0: {  	[tilespmem:s31+$0xE4A0] =	vst v1;
	v1 =	vmul.f32 $1.131370830e+01, v2  }
0xa1: {  	[tilespmem:s31+$0xE4B0] =	vst v0;
	v0 =	vmul.f32 $1.131370830e+01, v3  }
0xa2: {  	[tilespmem:s31+$0xE4C0] =	vst v1;
	v1 =	vmul.f32 $1.131370830e+01, v4  }
0xa3: {  	s0 =	sadd.s32 s30, s8;
	[tilespmem:s31+$0xE4D0] =	vst v0;
	v0 =	vmul.f32 $1.131370830e+01, v6  }
0xa4: {  	s0 =	sshll.u32 s0, $0x4;
	[tilespmem:s31+$0xE4E0] =	vst v1  }
0xa5: {  	s0 =	sadd.s32 s3, s0;
	[tilespmem:s31+$0xE4F0] =	vst v0  }
0xa6: {  	[hbm4b:s0+s4] =	stream.linear.scatter [tilespmem:s15], [sflag:$0x7], $0x4000, $0x38;
	[tilespmem:$0x16400] =	vst v63  }
0xa7: {  	_ =	swait.ge [sflag:s20], $0x4000  }
0xa8: {  	[sflag:s20] =	ssyncset.done $0x0  }
0xa9: {  	s0 =	simm.s32 @!p0 $0x7;
	[sflag:s20] =	ssyncadd.s32 $0xFFFFC000  }
0xaa: {  	_ =	swait.ge @!p0 [sflag:s0], $0x4000  }
0xab: {  	s1 =	simm.s32 @!p0 $0x80;
	[sflag:s0] =	ssyncset.done @!p0 $0x0  }
0xac: {  	[sflag:s0] =	ssyncadd.s32 @!p0 $0xFFFFC000;
	s0 =	sadd.s32 @!p0 $0x300, s29;
	s29 =	simm.s32 @!p0 $0xE400  }
0xad: {  	[tilespmem:s29], [sflag:$0x3] =	stream.indirect.gather @!p0 [hbm4b:s2+s1], $0x80, s0, s1, $0xb8;
	[tilespmem:$0x16400] =	vst v63  }
0xae: {  	s29 =	simm.s32 $0x0  }
0xaf: {  	v0 =	vld [tilespmem:s29+$0x12400]  }
0xb0: {  	v1 =	vld [tilespmem:s29+$0x12410]  }
0xb1: {  	v2 =	vld [tilespmem:s29+$0x12420]  }
0xb2: {  	v3 =	vld [tilespmem:s29+$0x12430]  }
0xb3: {  	v4 =	vld [tilespmem:s29+$0x12440]  }
0xb4: {  	v5 =	vld [tilespmem:s29+$0x12450];
	v0 =	vmul.f32 $1.131370830e+01, v0  }
0xb5: {  	v6 =	vld [tilespmem:s29+$0x12460];
	v1 =	vmul.f32 $1.131370830e+01, v1  }
0xb6: {  	v7 =	vld [tilespmem:s29+$0x12470];
	[tilespmem:s29+$0x12400] =	vst v0;
	v0 =	vmul.f32 $1.131370830e+01, v2  }
0xb7: {  	v8 =	vld [tilespmem:s29+$0x12480];
	[tilespmem:s29+$0x12410] =	vst v1;
	v1 =	vmul.f32 $1.131370830e+01, v3  }
0xb8: {  	v9 =	vld [tilespmem:s29+$0x12490];
	[tilespmem:s29+$0x12420] =	vst v0;
	v0 =	vmul.f32 $1.131370830e+01, v4  }
0xb9: {  	v2 =	vmul.f32 $1.131370830e+01, v5;
	[tilespmem:s29+$0x12430] =	vst v1;
	v1 =	vld [tilespmem:s29+$0x124A0]  }
0xba: {  	v3 =	vmul.f32 $1.131370830e+01, v6;
	[tilespmem:s29+$0x12440] =	vst v0;
	v0 =	vld [tilespmem:s29+$0x124B0]  }
0xbb: {  	[tilespmem:s29+$0x12450] =	vst v2;
	v2 =	vld [tilespmem:s29+$0x124C0];
	v4 =	vmul.f32 $1.131370830e+01, v7  }
0xbc: {  	v6 =	vmul.f32 $1.131370830e+01, v8;
	[tilespmem:s29+$0x12460] =	vst v3;
	v3 =	vld [tilespmem:s29+$0x124D0]  }
0xbd: {  	s1 =	simm.s32 $0x400;
	v5 =	vmul.f32 $1.131370830e+01, v9;
	[tilespmem:s29+$0x12470] =	vst v4;
	v4 =	vld [tilespmem:s29+$0x124E0]  }
.LBB2_9:
0xbe: {  	s0 =	sshra.s32 s1, $0x2;
	p0 =	sne.s32 s1, $0xFC00;
	[tilespmem:s29+$0x12480] =	vst v6;
	v1 =	vmul.f32 $1.131370830e+01, v1;
	v6 =	vld [tilespmem:s29+$0x124F0]  }
0xbf: {  	v7 =	vld [tilespmem:s0+$0x12400];
	[tilespmem:s29+$0x12490] =	vst v5;
	v0 =	vmul.f32 $1.131370830e+01, v0  }
0xc0: {  	v5 =	vld [tilespmem:s0+$0x12410];
	[tilespmem:s29+$0x124A0] =	vst v1;
	v1 =	vmul.f32 $1.131370830e+01, v2  }
0xc1: {  	v2 =	vld [tilespmem:s0+$0x12420];
	[tilespmem:s29+$0x124B0] =	vst v0;
	v0 =	vmul.f32 $1.131370830e+01, v3  }
0xc2: {  	v3 =	vld [tilespmem:s0+$0x12430];
	[tilespmem:s29+$0x124C0] =	vst v1;
	v1 =	vmul.f32 $1.131370830e+01, v4  }
0xc3: {  	v4 =	vld [tilespmem:s0+$0x12440];
	[tilespmem:s29+$0x124D0] =	vst v0;
	v0 =	vmul.f32 $1.131370830e+01, v6  }
0xc4: {  	v6 =	vmul.f32 $1.131370830e+01, v7;
	v7 =	vld [tilespmem:s0+$0x12450];
	[tilespmem:s29+$0x124E0] =	vst v1  }
0xc5: {  	v1 =	vmul.f32 $1.131370830e+01, v5;
	v5 =	vld [tilespmem:s0+$0x12460];
	[tilespmem:s29+$0x124F0] =	vst v0;
	s29 =	smov.u32 s0  }
0xc6: {  	[tilespmem:s29+$0x12400] =	vst v6;
	v0 =	vmul.f32 $1.131370830e+01, v2;
	v2 =	vld [tilespmem:s29+$0x12470]  }
0xc7: {  	[tilespmem:s29+$0x12410] =	vst v1;
	v1 =	vmul.f32 $1.131370830e+01, v3;
	v3 =	vld [tilespmem:s29+$0x12480]  }
0xc8: {  	[tilespmem:s29+$0x12420] =	vst v0;
	v0 =	vmul.f32 $1.131370830e+01, v4;
	v4 =	vld [tilespmem:s29+$0x12490]  }
.Ltmp3:
0xc9: {  	[tilespmem:s29+$0x12430] =	vst v1;
	v6 =	vmul.f32 $1.131370830e+01, v7;
	v1 =	vld [tilespmem:s29+$0x124A0];
	(pc) =	sbr.rel @p0 .LBB2_9-.Ltmp3, $4  }
0xca: {  	[tilespmem:s29+$0x12440] =	vst v0;
	v5 =	vmul.f32 $1.131370830e+01, v5;
	v0 =	vld [tilespmem:s29+$0x124B0]  }
0xcb: {  	[tilespmem:s29+$0x12450] =	vst v6;
	v7 =	vmul.f32 $1.131370830e+01, v2;
	v2 =	vld [tilespmem:s29+$0x124C0]  }
0xcc: {  	[tilespmem:s29+$0x12460] =	vst v5;
	v6 =	vmul.f32 $1.131370830e+01, v3;
	v3 =	vld [tilespmem:s29+$0x124D0]  }
0xcd: {  	s1 =	sadd.s32 $0x400, s1;
	[tilespmem:s29+$0x12470] =	vst v7;
	v5 =	vmul.f32 $1.131370830e+01, v4;
	v4 =	vld [tilespmem:s29+$0x124E0]  }
0xce: {  	[tilespmem:s29+$0x12480] =	vst v6;
	v1 =	vmul.f32 $1.131370830e+01, v1;
	v59 =	vld [tilespmem:s29+$0x124F0]  }
0xcf: {  	[tilespmem:s29+$0x12490] =	vst v5;
	v0 =	vmul.f32 $1.131370830e+01, v0  }
0xd0: {  	s26 =	sadd.s32 $0x1, s26;
	[tilespmem:s29+$0x124A0] =	vst v1;
	v60 =	vmul.f32 $1.131370830e+01, v2  }
0xd1: {  	p0 =	sne.s32 s26, $0x32;
	[tilespmem:s29+$0x124B0] =	vst v0;
	v61 =	vmul.f32 $1.131370830e+01, v3  }
.Ltmp4:
0xd2: {  	s0 =	sshll.u32 s28, $0xE;
	[tilespmem:s29+$0x124C0] =	vst v60;
	v62 =	vmul.f32 $1.131370830e+01, v4;
	(pc) =	sbr.rel @p0 .LBB2_2-.Ltmp4, $4  }
0xd3: {  	s0 =	sadd.s32 s6, s0;
	[tilespmem:s29+$0x124D0] =	vst v61;
	v63 =	vmul.f32 $1.131370830e+01, v59  }
0xd4: {  	s0 =	sshrl.u32 s0, $0x3;
	[tilespmem:s29+$0x124E0] =	vst v62  }
0xd5: {  	s0 =	sadd.s32 s3, s0;
	[tilespmem:s29+$0x124F0] =	vst v63  }
0xd6: {  	[hbm4b:s0+s4] =	stream.linear.scatter [tilespmem:s17], [sflag:$0x8], $0x4000, $0x38;
	[tilespmem:$0x16400] =	vst v63  }
0xd7: {  	_ =	swait.ge [sflag:s21], $0x4000  }
0xd8: {  	[sflag:s21] =	ssyncset.done $0x0  }
0xd9: {  	[sflag:s21] =	ssyncadd.s32 $0xFFFFC000  }
0xda: {  	_ =	swait.ge [sflag:s22], $0x4000  }
0xdb: {  	[sflag:s22] =	ssyncset.done $0x0  }
0xdc: {  	s25 =	sadd.s32 $0x1, s25;
	[sflag:s22] =	ssyncadd.s32 $0xFFFFC000  }
0xdd: {  	p0 =	sne.s32 s25, s9;
	_ =	swait.ge [sflag:s23], $0x4000  }
.Ltmp5:
0xde: {  	[sflag:s23] =	ssyncset.done $0x0;
	(pc) =	sbr.rel @p0 .LBB2_1-.Ltmp5, $4  }
0xdf: {  	[sflag:s23] =	ssyncadd.s32 $0xFFFFC000  }
0xe0: {  	_ =	swait.ge [sflag:s24], $0x4000  }
0xe1: {  	[sflag:s24] =	ssyncset.done $0x0  }
0xe2: {  	[sflag:s24] =	ssyncadd.s32 $0xFFFFC000  }
0xe3: {  	_ =	sfence.sel $0x180000  }
0xe4: {  	[bflag:$0x0] =	sbarrier.arrive $0xFFFF  }
0xe5: {  	_ =	strace $0x90000047  }
0xe6: {  	s0 =	stileid.u32;
	[bflag:$0x2] =	sbarrier.arrive $0xFFFF  }
0xe7: {  	p0 =	sne.s32 s0, $0x0;
	s0 =	rddreg [dreg:$0x3]  }
0xe8: {  	s0 =	sadd.s32 @!p0 $0x100000, s0  }
0xe9: {  	[sflag:s0] =	ssyncadd.tile.s32 @!p0 $0x1;
	_ =	shalt  }
.Lfunc_end2:
_tile_overlayer_lowered:
.L_overlay_start_2:
0xea: {  	(tag) =	ssettag $0x2  }
0xeb: {  	s0 =	rddreg [dreg:$0x0];
	s2 =	stileid.u32  }
0xec: {  	s1 =	rddreg [dreg:$0x1];
	p0 =	sne.s32 s2, $0x0  }
0xed: {  	s3 =	rddreg [dreg:$0x2];
	[bflag:$0x3] =	sbarrier.arrive $0xFFFF;
	s2 =	simm.s32 @!p0 $0x1C09  }
0xee: {  	[timem:s3], [sflag:s2] =	dma.local @!p0 [hbm:s0], s1  }
0xef: {  	s0 =	simm.s32 @!p0 $0x9  }
0xf0: {  	_ =	swait.ge @!p0 [sflag:s0], s1  }
0xf1: {  	s1 =	ssub.s32 @!p0 $0x0, s1;
	[sflag:s0] =	ssyncset.done @!p0 $0x0  }
0xf2: {  	[sflag:s0] =	ssyncadd.s32 @!p0 s1  }
0xf3: {  	[bflag:$0x3] =	sbarrier.arrive $0xFFFF  }
0xf4: {  	_ =	shalt  }

</sc_bundles>
